<compile_context>
chip_gen: v7x
topology: tpu7x:2x2x1
jax: 0.10.2.dev20260603
libtpu: 0.0.44.dev20260713+nightly
codegen_flags: <defaults>
</compile_context>

<pallas_src>
import functools

import jax
import jax.numpy as jnp
from jax import lax
from jax.experimental import pallas as pl
from jax.experimental.pallas import tpu as pltpu
from jax.experimental.pallas import tpu_sc as plsc

N = 500000
FEAT = 20
HID = 64
S = 16
B = 16384
U = 2000
NU = N // U
NW = 32


def _unit(v):
    mag = jnp.maximum(jnp.sqrt(jnp.sum(v * v, axis=1)), 1e-8)
    return v / mag[:, None]


def _slot_mats(rotation, translation):
    ident = jnp.array([[1.0, 0.0, 0.0, 0.0, 1.0, 0.0]], jnp.float32)
    rot6 = jnp.concatenate([ident, rotation[1:]], axis=0)
    tr = jnp.concatenate([jnp.zeros((1, 3), jnp.float32), translation[1:]], axis=0)
    x = _unit(rot6[:, 0:3])
    z = _unit(jnp.cross(x, rot6[:, 3:6]))
    y = jnp.cross(z, x)
    rot = jnp.stack([x, y, z], axis=-1)
    rmc = jnp.transpose(rot, (2, 0, 1)).reshape(3 * S, 3)
    trc = tr.T.reshape(3 * S, 1)
    rft = rot.reshape(S, 9).T
    trt = tr.T
    return rmc, trc, rft, trt


def _tc_body(xt_ref, et_ref, w1et_ref, w1xt_ref, b1t_ref, w2t_ref, b2t_ref,
             w3t_ref, b3t_ref, rmc_ref, trc_ref, rft_ref, trt_ref,
             soft_ref, pred_ref, cand_ref):
    xt = xt_ref[...]
    et = et_ref[...]
    h = jnp.dot(w1et_ref[...], et, preferred_element_type=jnp.float32)
    h = h + jnp.dot(w1xt_ref[...], xt, preferred_element_type=jnp.float32)
    h = jax.nn.relu(h + b1t_ref[...])
    h = jax.nn.relu(jnp.dot(w2t_ref[...], h, preferred_element_type=jnp.float32)
                    + b2t_ref[...])
    lt = jnp.dot(w3t_ref[...], h, preferred_element_type=jnp.float32) + b3t_ref[...]

    m = jnp.max(lt, axis=0, keepdims=True)
    ex = jnp.exp(lt - m)
    soft_ref[...] = ex * (1.0 / jnp.sum(ex, axis=0, keepdims=True))

    cand_ref[...] = (jnp.dot(rmc_ref[...], xt, preferred_element_type=jnp.float32)
                     + trc_ref[...])

    srow = jax.lax.broadcasted_iota(jnp.int32, (S, B), 0)
    ismax = lt >= m
    idx = jnp.min(jnp.where(ismax, srow, S), axis=0, keepdims=True)
    hard_t = (srow == idx).astype(jnp.float32)
    rotsel = jnp.dot(rft_ref[...], hard_t, preferred_element_type=jnp.float32)
    pred = jnp.dot(trt_ref[...], hard_t, preferred_element_type=jnp.float32)
    for d in range(3):
        pred = pred + (jnp.broadcast_to(xt[d:d + 1, :], (3, B))
                       * rotsel[3 * d:3 * d + 3, :])
    pred_ref[...] = pred


def _tc_call(xt, et, w1et, w1xt, b1t, w2t, b2t, w3t, b3t, rmc, trc, rft, trt):
    grid = (pl.cdiv(N, B),)

    def data_spec(rows):
        return pl.BlockSpec((rows, B), lambda i: (0, i))

    def full_spec(shape):
        return pl.BlockSpec(shape, lambda i: (0,) * len(shape))

    return pl.pallas_call(
        _tc_body,
        grid=grid,
        in_specs=[
            data_spec(3),
            data_spec(FEAT),
            full_spec((HID, FEAT)),
            full_spec((HID, 3)),
            full_spec((HID, 1)),
            full_spec((HID, HID)),
            full_spec((HID, 1)),
            full_spec((S, HID)),
            full_spec((S, 1)),
            full_spec((3 * S, 3)),
            full_spec((3 * S, 1)),
            full_spec((9, S)),
            full_spec((3, S)),
        ],
        out_specs=[data_spec(S), data_spec(3), data_spec(3 * S)],
        out_shape=[
            jax.ShapeDtypeStruct((S, N), jnp.float32),
            jax.ShapeDtypeStruct((3, N), jnp.float32),
            jax.ShapeDtypeStruct((3 * S, N), jnp.float32),
        ],
        compiler_params=pltpu.CompilerParams(
            dimension_semantics=("parallel",),
        ),
    )(xt, et, w1et, w1xt, b1t, w2t, b2t, w3t, b3t, rmc, trc, rft, trt)


def _sc_body(soft_hbm, hard_hbm, soft_v, hard_v):
    wid = lax.axis_index("s") * 2 + lax.axis_index("c")

    def do_unit(k, carry):
        u = wid + k * NW

        @pl.when(u < NU)
        def _process():
            off = u * U
            for s in range(S):
                pltpu.sync_copy(soft_hbm.at[pl.ds(s * N + off, U)],
                                soft_v.at[pl.ds(s * U, U)])

            def do_group(j, gcarry):
                o = j * 16
                m = soft_v[pl.ds(o, 16)]
                idx = jnp.zeros((16,), jnp.int32)
                for s in range(1, S):
                    v = soft_v[pl.ds(s * U + o, 16)]
                    gt = v > m
                    m = jnp.where(gt, v, m)
                    idx = jnp.where(gt, s, idx)
                for s in range(S):
                    hard_v[pl.ds(s * U + o, 16)] = jnp.where(
                        idx == s, 1.0, 0.0).astype(jnp.float32)
                return gcarry

            lax.fori_loop(0, U // 16, do_group, 0)

            for s in range(S):
                pltpu.sync_copy(hard_v.at[pl.ds(s * U, U)],
                                hard_hbm.at[pl.ds(s * N + off, U)])

        return carry

    lax.fori_loop(0, (NU + NW - 1) // NW, do_unit, 0)


def _sc_call(soft):
    mesh = plsc.VectorSubcoreMesh(core_axis_name="c", subcore_axis_name="s")
    f = pl.kernel(
        _sc_body,
        mesh=mesh,
        out_type=[
            jax.ShapeDtypeStruct((S * N,), jnp.float32),
        ],
        scratch_types=[
            pltpu.VMEM((S * U,), jnp.float32),
            pltpu.VMEM((S * U,), jnp.float32),
        ],
    )
    return f(soft.reshape(S * N))


def kernel(xyz_cnc, xyz_cnc_embedded, W1, b1, W2, b2, W3, b3, rotation, translation):
    rmc, trc, rft, trt = _slot_mats(rotation, translation)
    xt = xyz_cnc.T
    soft_t, pred_t, cand_c = _tc_call(
        xt, xyz_cnc_embedded.T, W1[:FEAT].T, W1[FEAT:].T,
        b1.reshape(HID, 1), W2.T, b2.reshape(HID, 1), W3.T, b3.reshape(S, 1),
        rmc, trc, rft, trt)
    (hard_f,) = _sc_call(soft_t)

    attn_hard = hard_f.reshape(S, N).T
    attn_soft = soft_t.T
    pred = pred_t.T
    cand = jnp.transpose(cand_c.reshape(3, S, N), (2, 1, 0))
    return (attn_hard, attn_soft, pred, cand)

# --- scband reference (transcript-rebuilt; emitter-appended) ---
"""Pipeline reference for scband-part-articulation-net-76596446756993 (READ-ONLY COPY).

The authoritative reference and input builder live on the scoring server;
editing this copy changes nothing except your own understanding.
"""

import jax, jax.numpy as jnp
import numpy as np

N = 500000
FEAT = 20
HID = 64
S = 16

def _normalize(v):
    mag = jnp.maximum(jnp.sqrt(jnp.sum(v * v, axis=1)), 1e-8)
    return v / mag[:, None]

def _rotat_from_6d(o6):
    x = _normalize(o6[:, 0:3])
    z = _normalize(jnp.cross(x, o6[:, 3:6]))
    y = jnp.cross(z, x)
    return jnp.stack([x, y, z], axis=-1)

def setup_inputs(seed: int = 0):
    key = jax.random.key(seed)
    ks = jax.random.split(key, 10)
    xyz_cnc = jax.random.normal(ks[0], (N, 3), dtype=jnp.float32)
    xyz_cnc_embedded = jax.random.normal(ks[1], (N, FEAT), dtype=jnp.float32)
    W1 = jax.random.normal(ks[2], (FEAT + 3, HID), dtype=jnp.float32) * 0.1
    b1 = jnp.zeros((HID,), jnp.float32)
    W2 = jax.random.normal(ks[3], (HID, HID), dtype=jnp.float32) * 0.1
    b2 = jnp.zeros((HID,), jnp.float32)
    W3 = jax.random.normal(ks[4], (HID, S), dtype=jnp.float32) * 0.1
    b3 = jnp.zeros((S,), jnp.float32)
    rotation = jnp.tile(jnp.array([1., 0., 0., 0., 1., 0.], jnp.float32)[None, :], (S, 1)) + 0.01 * jax.random.normal(ks[5], (S, 6), dtype=jnp.float32)
    translation = 0.01 * jax.random.normal(ks[6], (S, 3), dtype=jnp.float32)
    return {"xyz_cnc": xyz_cnc, "xyz_cnc_embedded": xyz_cnc_embedded, "W1": W1, "b1": b1, "W2": W2, "b2": b2, "W3": W3, "b3": b3, "rotation": rotation, "translation": translation}

def reference(xyz_cnc, xyz_cnc_embedded, W1, b1, W2, b2, W3, b3, rotation, translation):
    # forw_deform with slot_name containing 'xyz', slot_hard='hard', training=True
    feat = jnp.concatenate([xyz_cnc_embedded, xyz_cnc], axis=-1)
    h = jax.nn.relu(feat @ W1 + b1)
    h = jax.nn.relu(h @ W2 + b2)
    logits = h @ W3 + b3
    # compute_attn: style='hard' -> no gumbel, hard argmax one-hot with straight-through
    attn_soft = jax.nn.softmax(logits, axis=1)
    idx = jnp.argmax(attn_soft, axis=1)
    y_hard = jax.nn.one_hot(idx, S, dtype=attn_soft.dtype)
    attn_hard = y_hard - jax.lax.stop_gradient(attn_soft) + attn_soft
    # get_raw_slot_transform with fix_base=True, gt_transform=None, gt_joint_types=None
    rot6 = jnp.concatenate([jnp.array([[1., 0., 0., 0., 1., 0.]], jnp.float32), rotation[1:]], axis=0)
    tr = jnp.concatenate([jnp.zeros((1, 3), jnp.float32), translation[1:]], axis=0)
    rot = _rotat_from_6d(rot6)
    rotat_forw = jnp.einsum('ns,scd->ncd', attn_hard, rot)
    trans_forw = attn_hard @ tr
    xyz_smp_pred = jnp.einsum('ndc,nd->nc', rotat_forw, xyz_cnc) + trans_forw
    xyz_smp_pred_cand = jnp.einsum('sdc,nd->nsc', rot, xyz_cnc) + tr[None, :, :]
    return (attn_hard, attn_soft, xyz_smp_pred, xyz_smp_pred_cand)

if False:  # reference __main__ guard neutralized (emitter)
    out = reference(**setup_inputs())
    print([o.shape for o in out])

if __name__ == "__main__":
    import jax
    _d = setup_inputs()
    print(jax.jit(kernel)(*tuple(_d.values())))

</pallas_src>

<mosaic_0001>
#map = affine_map<(d0, d1) -> (0)>
module attributes {stable_mosaic.version = 14 : i64} {
  func.func @_sc_body(%arg0: i32, %arg1: i32, %arg2: memref<8000000xf32, #tpu.memory_space<hbm>>, %arg3: memref<8000000xf32, #tpu.memory_space<hbm>>, %arg4: memref<32000xf32, #tpu.memory_space<vmem>>, %arg5: memref<32000xf32, #tpu.memory_space<vmem>>) attributes {dimension_semantics = [#tpu.dimension_semantics<core_parallel>, #tpu.dimension_semantics<subcore_parallel>], iteration_bounds = array<i64: 2, 16>, scalar_prefetch = 0 : i64, scratch_operands = 2 : i64, tpu.core_type = #tpu.core_type<sc_vector_subcore>, window_params = [{transform_indices = #map}, {transform_indices = #map}]} {
    %mul3A = arith.constant 2 : i32
    %mul3A_0 = arith.muli %arg1, %mul3A : i32
    %add3A = arith.addi %mul3A_0, %arg0 : i32
    %scan3A = arith.constant 0 : i32
    %scan3A_1 = arith.constant 0 : i32
    %scan3A_2 = arith.constant 8 : i32
    %scan3A_3 = arith.addi %scan3A_1, %scan3A_2 : i32
    %scan3A_4 = arith.constant 1 : i32
    scf.for %scan3A_6 = %scan3A_1 to %scan3A_3 step %scan3A_4  : i32 {
      %mul3A_7 = arith.constant 32 : i32
      %mul3A_8 = arith.muli %scan3A_6, %mul3A_7 : i32
      %add3A_9 = arith.addi %add3A, %mul3A_8 : i32
      %lt3A = arith.constant 250 : i32
      %lt3A_10 = arith.cmpi slt, %add3A_9, %lt3A : i32
      %convert_element_type3A = arith.extui %lt3A_10 : i1 to i32
      %cond3A = arith.constant 0 : i32
      %cond3A_11 = arith.cmpi ne, %convert_element_type3A, %cond3A : i32
      scf.if %cond3A_11 {
        %mul3A_12 = arith.constant 2000 : i32
        %mul3A_13 = arith.muli %add3A_9, %mul3A_12 : i32
        %add3A_14 = arith.constant 0 : i32
        %add3A_15 = arith.addi %add3A_14, %mul3A_13 : i32
        "tpu.region"() ({
          %run_scoped3A = tpu.sem_alloc : memref<!tpu.dma_semaphore, #tpu.memory_space<semaphore_mem>>
          %dma_start3A = arith.constant 0 : i32
          %dma_start3A_84 = tpu.memref_slice %arg4[%dma_start3A] : memref<32000xf32, #tpu.memory_space<vmem>> -> memref<2000xf32, #tpu.memory_space<vmem>>
          %dma_start3A_85 = tpu.memref_slice %arg2[%add3A_15] : memref<8000000xf32, #tpu.memory_space<hbm>> -> memref<2000xf32, #tpu.memory_space<hbm>>
          %dma_start3A_86 = arith.constant 0 : i32
          %dma_start3A_87 = tpu.memref_slice %arg4[%dma_start3A_86] : memref<32000xf32, #tpu.memory_space<vmem>> -> memref<2000xf32, #tpu.memory_space<vmem>>
          %dma_start3A_88 = tpu.memref_slice %arg2[%add3A_15] : memref<8000000xf32, #tpu.memory_space<hbm>> -> memref<2000xf32, #tpu.memory_space<hbm>>
          tpu.enqueue_dma source(%dma_start3A_88 : memref<2000xf32, #tpu.memory_space<hbm>>) target(%dma_start3A_87 : memref<2000xf32, #tpu.memory_space<vmem>>) target_semaphore(%run_scoped3A : memref<!tpu.dma_semaphore, #tpu.memory_space<semaphore_mem>>)
          %dma_wait3A = arith.constant 0 : i32
          %dma_wait3A_89 = tpu.memref_slice %arg4[%dma_wait3A] : memref<32000xf32, #tpu.memory_space<vmem>> -> memref<2000xf32, #tpu.memory_space<vmem>>
          %dma_wait3A_90 = tpu.memref_slice %arg2[%add3A_15] : memref<8000000xf32, #tpu.memory_space<hbm>> -> memref<2000xf32, #tpu.memory_space<hbm>>
          %dma_wait3A_91 = arith.constant 0 : i32
          %dma_wait3A_92 = tpu.memref_slice %arg4[%dma_wait3A_91] : memref<32000xf32, #tpu.memory_space<vmem>> -> memref<2000xf32, #tpu.memory_space<vmem>>
          %dma_wait3A_93 = tpu.memref_slice %arg2[%add3A_15] : memref<8000000xf32, #tpu.memory_space<hbm>> -> memref<2000xf32, #tpu.memory_space<hbm>>
          tpu.wait_dma2 semaphore(%run_scoped3A : memref<!tpu.dma_semaphore, #tpu.memory_space<semaphore_mem>>) src(%dma_wait3A_93 : memref<2000xf32, #tpu.memory_space<hbm>>) dst(%dma_wait3A_92 : memref<2000xf32, #tpu.memory_space<vmem>>)
          tpu.yield
        }) : () -> ()
        %add3A_16 = arith.constant 500000 : i32
        %add3A_17 = arith.addi %add3A_16, %mul3A_13 : i32
        "tpu.region"() ({
          %run_scoped3A = tpu.sem_alloc : memref<!tpu.dma_semaphore, #tpu.memory_space<semaphore_mem>>
          %dma_start3A = arith.constant 2000 : i32
          %dma_start3A_84 = tpu.memref_slice %arg4[%dma_start3A] : memref<32000xf32, #tpu.memory_space<vmem>> -> memref<2000xf32, #tpu.memory_space<vmem>>
          %dma_start3A_85 = tpu.memref_slice %arg2[%add3A_17] : memref<8000000xf32, #tpu.memory_space<hbm>> -> memref<2000xf32, #tpu.memory_space<hbm>>
          %dma_start3A_86 = arith.constant 2000 : i32
          %dma_start3A_87 = tpu.memref_slice %arg4[%dma_start3A_86] : memref<32000xf32, #tpu.memory_space<vmem>> -> memref<2000xf32, #tpu.memory_space<vmem>>
          %dma_start3A_88 = tpu.memref_slice %arg2[%add3A_17] : memref<8000000xf32, #tpu.memory_space<hbm>> -> memref<2000xf32, #tpu.memory_space<hbm>>
          tpu.enqueue_dma source(%dma_start3A_88 : memref<2000xf32, #tpu.memory_space<hbm>>) target(%dma_start3A_87 : memref<2000xf32, #tpu.memory_space<vmem>>) target_semaphore(%run_scoped3A : memref<!tpu.dma_semaphore, #tpu.memory_space<semaphore_mem>>)
          %dma_wait3A = arith.constant 2000 : i32
          %dma_wait3A_89 = tpu.memref_slice %arg4[%dma_wait3A] : memref<32000xf32, #tpu.memory_space<vmem>> -> memref<2000xf32, #tpu.memory_space<vmem>>
          %dma_wait3A_90 = tpu.memref_slice %arg2[%add3A_17] : memref<8000000xf32, #tpu.memory_space<hbm>> -> memref<2000xf32, #tpu.memory_space<hbm>>
          %dma_wait3A_91 = arith.constant 2000 : i32
          %dma_wait3A_92 = tpu.memref_slice %arg4[%dma_wait3A_91] : memref<32000xf32, #tpu.memory_space<vmem>> -> memref<2000xf32, #tpu.memory_space<vmem>>
          %dma_wait3A_93 = tpu.memref_slice %arg2[%add3A_17] : memref<8000000xf32, #tpu.memory_space<hbm>> -> memref<2000xf32, #tpu.memory_space<hbm>>
          tpu.wait_dma2 semaphore(%run_scoped3A : memref<!tpu.dma_semaphore, #tpu.memory_space<semaphore_mem>>) src(%dma_wait3A_93 : memref<2000xf32, #tpu.memory_space<hbm>>) dst(%dma_wait3A_92 : memref<2000xf32, #tpu.memory_space<vmem>>)
          tpu.yield
        }) : () -> ()
        %add3A_18 = arith.constant 1000000 : i32
        %add3A_19 = arith.addi %add3A_18, %mul3A_13 : i32
        "tpu.region"() ({
          %run_scoped3A = tpu.sem_alloc : memref<!tpu.dma_semaphore, #tpu.memory_space<semaphore_mem>>
          %dma_start3A = arith.constant 4000 : i32
          %dma_start3A_84 = tpu.memref_slice %arg4[%dma_start3A] : memref<32000xf32, #tpu.memory_space<vmem>> -> memref<2000xf32, #tpu.memory_space<vmem>>
          %dma_start3A_85 = tpu.memref_slice %arg2[%add3A_19] : memref<8000000xf32, #tpu.memory_space<hbm>> -> memref<2000xf32, #tpu.memory_space<hbm>>
          %dma_start3A_86 = arith.constant 4000 : i32
          %dma_start3A_87 = tpu.memref_slice %arg4[%dma_start3A_86] : memref<32000xf32, #tpu.memory_space<vmem>> -> memref<2000xf32, #tpu.memory_space<vmem>>
          %dma_start3A_88 = tpu.memref_slice %arg2[%add3A_19] : memref<8000000xf32, #tpu.memory_space<hbm>> -> memref<2000xf32, #tpu.memory_space<hbm>>
          tpu.enqueue_dma source(%dma_start3A_88 : memref<2000xf32, #tpu.memory_space<hbm>>) target(%dma_start3A_87 : memref<2000xf32, #tpu.memory_space<vmem>>) target_semaphore(%run_scoped3A : memref<!tpu.dma_semaphore, #tpu.memory_space<semaphore_mem>>)
          %dma_wait3A = arith.constant 4000 : i32
          %dma_wait3A_89 = tpu.memref_slice %arg4[%dma_wait3A] : memref<32000xf32, #tpu.memory_space<vmem>> -> memref<2000xf32, #tpu.memory_space<vmem>>
          %dma_wait3A_90 = tpu.memref_slice %arg2[%add3A_19] : memref<8000000xf32, #tpu.memory_space<hbm>> -> memref<2000xf32, #tpu.memory_space<hbm>>
          %dma_wait3A_91 = arith.constant 4000 : i32
          %dma_wait3A_92 = tpu.memref_slice %arg4[%dma_wait3A_91] : memref<32000xf32, #tpu.memory_space<vmem>> -> memref<2000xf32, #tpu.memory_space<vmem>>
          %dma_wait3A_93 = tpu.memref_slice %arg2[%add3A_19] : memref<8000000xf32, #tpu.memory_space<hbm>> -> memref<2000xf32, #tpu.memory_space<hbm>>
          tpu.wait_dma2 semaphore(%run_scoped3A : memref<!tpu.dma_semaphore, #tpu.memory_space<semaphore_mem>>) src(%dma_wait3A_93 : memref<2000xf32, #tpu.memory_space<hbm>>) dst(%dma_wait3A_92 : memref<2000xf32, #tpu.memory_space<vmem>>)
          tpu.yield
        }) : () -> ()
        %add3A_20 = arith.constant 1500000 : i32
        %add3A_21 = arith.addi %add3A_20, %mul3A_13 : i32
        "tpu.region"() ({
          %run_scoped3A = tpu.sem_alloc : memref<!tpu.dma_semaphore, #tpu.memory_space<semaphore_mem>>
          %dma_start3A = arith.constant 6000 : i32
          %dma_start3A_84 = tpu.memref_slice %arg4[%dma_start3A] : memref<32000xf32, #tpu.memory_space<vmem>> -> memref<2000xf32, #tpu.memory_space<vmem>>
          %dma_start3A_85 = tpu.memref_slice %arg2[%add3A_21] : memref<8000000xf32, #tpu.memory_space<hbm>> -> memref<2000xf32, #tpu.memory_space<hbm>>
          %dma_start3A_86 = arith.constant 6000 : i32
          %dma_start3A_87 = tpu.memref_slice %arg4[%dma_start3A_86] : memref<32000xf32, #tpu.memory_space<vmem>> -> memref<2000xf32, #tpu.memory_space<vmem>>
          %dma_start3A_88 = tpu.memref_slice %arg2[%add3A_21] : memref<8000000xf32, #tpu.memory_space<hbm>> -> memref<2000xf32, #tpu.memory_space<hbm>>
          tpu.enqueue_dma source(%dma_start3A_88 : memref<2000xf32, #tpu.memory_space<hbm>>) target(%dma_start3A_87 : memref<2000xf32, #tpu.memory_space<vmem>>) target_semaphore(%run_scoped3A : memref<!tpu.dma_semaphore, #tpu.memory_space<semaphore_mem>>)
          %dma_wait3A = arith.constant 6000 : i32
          %dma_wait3A_89 = tpu.memref_slice %arg4[%dma_wait3A] : memref<32000xf32, #tpu.memory_space<vmem>> -> memref<2000xf32, #tpu.memory_space<vmem>>
          %dma_wait3A_90 = tpu.memref_slice %arg2[%add3A_21] : memref<8000000xf32, #tpu.memory_space<hbm>> -> memref<2000xf32, #tpu.memory_space<hbm>>
          %dma_wait3A_91 = arith.constant 6000 : i32
          %dma_wait3A_92 = tpu.memref_slice %arg4[%dma_wait3A_91] : memref<32000xf32, #tpu.memory_space<vmem>> -> memref<2000xf32, #tpu.memory_space<vmem>>
          %dma_wait3A_93 = tpu.memref_slice %arg2[%add3A_21] : memref<8000000xf32, #tpu.memory_space<hbm>> -> memref<2000xf32, #tpu.memory_space<hbm>>
          tpu.wait_dma2 semaphore(%run_scoped3A : memref<!tpu.dma_semaphore, #tpu.memory_space<semaphore_mem>>) src(%dma_wait3A_93 : memref<2000xf32, #tpu.memory_space<hbm>>) dst(%dma_wait3A_92 : memref<2000xf32, #tpu.memory_space<vmem>>)
          tpu.yield
        }) : () -> ()
        %add3A_22 = arith.constant 2000000 : i32
        %add3A_23 = arith.addi %add3A_22, %mul3A_13 : i32
        "tpu.region"() ({
          %run_scoped3A = tpu.sem_alloc : memref<!tpu.dma_semaphore, #tpu.memory_space<semaphore_mem>>
          %dma_start3A = arith.constant 8000 : i32
          %dma_start3A_84 = tpu.memref_slice %arg4[%dma_start3A] : memref<32000xf32, #tpu.memory_space<vmem>> -> memref<2000xf32, #tpu.memory_space<vmem>>
          %dma_start3A_85 = tpu.memref_slice %arg2[%add3A_23] : memref<8000000xf32, #tpu.memory_space<hbm>> -> memref<2000xf32, #tpu.memory_space<hbm>>
          %dma_start3A_86 = arith.constant 8000 : i32
          %dma_start3A_87 = tpu.memref_slice %arg4[%dma_start3A_86] : memref<32000xf32, #tpu.memory_space<vmem>> -> memref<2000xf32, #tpu.memory_space<vmem>>
          %dma_start3A_88 = tpu.memref_slice %arg2[%add3A_23] : memref<8000000xf32, #tpu.memory_space<hbm>> -> memref<2000xf32, #tpu.memory_space<hbm>>
          tpu.enqueue_dma source(%dma_start3A_88 : memref<2000xf32, #tpu.memory_space<hbm>>) target(%dma_start3A_87 : memref<2000xf32, #tpu.memory_space<vmem>>) target_semaphore(%run_scoped3A : memref<!tpu.dma_semaphore, #tpu.memory_space<semaphore_mem>>)
          %dma_wait3A = arith.constant 8000 : i32
          %dma_wait3A_89 = tpu.memref_slice %arg4[%dma_wait3A] : memref<32000xf32, #tpu.memory_space<vmem>> -> memref<2000xf32, #tpu.memory_space<vmem>>
          %dma_wait3A_90 = tpu.memref_slice %arg2[%add3A_23] : memref<8000000xf32, #tpu.memory_space<hbm>> -> memref<2000xf32, #tpu.memory_space<hbm>>
          %dma_wait3A_91 = arith.constant 8000 : i32
          %dma_wait3A_92 = tpu.memref_slice %arg4[%dma_wait3A_91] : memref<32000xf32, #tpu.memory_space<vmem>> -> memref<2000xf32, #tpu.memory_space<vmem>>
          %dma_wait3A_93 = tpu.memref_slice %arg2[%add3A_23] : memref<8000000xf32, #tpu.memory_space<hbm>> -> memref<2000xf32, #tpu.memory_space<hbm>>
          tpu.wait_dma2 semaphore(%run_scoped3A : memref<!tpu.dma_semaphore, #tpu.memory_space<semaphore_mem>>) src(%dma_wait3A_93 : memref<2000xf32, #tpu.memory_space<hbm>>) dst(%dma_wait3A_92 : memref<2000xf32, #tpu.memory_space<vmem>>)
          tpu.yield
        }) : () -> ()
        %add3A_24 = arith.constant 2500000 : i32
        %add3A_25 = arith.addi %add3A_24, %mul3A_13 : i32
        "tpu.region"() ({
          %run_scoped3A = tpu.sem_alloc : memref<!tpu.dma_semaphore, #tpu.memory_space<semaphore_mem>>
          %dma_start3A = arith.constant 10000 : i32
          %dma_start3A_84 = tpu.memref_slice %arg4[%dma_start3A] : memref<32000xf32, #tpu.memory_space<vmem>> -> memref<2000xf32, #tpu.memory_space<vmem>>
          %dma_start3A_85 = tpu.memref_slice %arg2[%add3A_25] : memref<8000000xf32, #tpu.memory_space<hbm>> -> memref<2000xf32, #tpu.memory_space<hbm>>
          %dma_start3A_86 = arith.constant 10000 : i32
          %dma_start3A_87 = tpu.memref_slice %arg4[%dma_start3A_86] : memref<32000xf32, #tpu.memory_space<vmem>> -> memref<2000xf32, #tpu.memory_space<vmem>>
          %dma_start3A_88 = tpu.memref_slice %arg2[%add3A_25] : memref<8000000xf32, #tpu.memory_space<hbm>> -> memref<2000xf32, #tpu.memory_space<hbm>>
          tpu.enqueue_dma source(%dma_start3A_88 : memref<2000xf32, #tpu.memory_space<hbm>>) target(%dma_start3A_87 : memref<2000xf32, #tpu.memory_space<vmem>>) target_semaphore(%run_scoped3A : memref<!tpu.dma_semaphore, #tpu.memory_space<semaphore_mem>>)
          %dma_wait3A = arith.constant 10000 : i32
          %dma_wait3A_89 = tpu.memref_slice %arg4[%dma_wait3A] : memref<32000xf32, #tpu.memory_space<vmem>> -> memref<2000xf32, #tpu.memory_space<vmem>>
          %dma_wait3A_90 = tpu.memref_slice %arg2[%add3A_25] : memref<8000000xf32, #tpu.memory_space<hbm>> -> memref<2000xf32, #tpu.memory_space<hbm>>
          %dma_wait3A_91 = arith.constant 10000 : i32
          %dma_wait3A_92 = tpu.memref_slice %arg4[%dma_wait3A_91] : memref<32000xf32, #tpu.memory_space<vmem>> -> memref<2000xf32, #tpu.memory_space<vmem>>
          %dma_wait3A_93 = tpu.memref_slice %arg2[%add3A_25] : memref<8000000xf32, #tpu.memory_space<hbm>> -> memref<2000xf32, #tpu.memory_space<hbm>>
          tpu.wait_dma2 semaphore(%run_scoped3A : memref<!tpu.dma_semaphore, #tpu.memory_space<semaphore_mem>>) src(%dma_wait3A_93 : memref<2000xf32, #tpu.memory_space<hbm>>) dst(%dma_wait3A_92 : memref<2000xf32, #tpu.memory_space<vmem>>)
          tpu.yield
        }) : () -> ()
        %add3A_26 = arith.constant 3000000 : i32
        %add3A_27 = arith.addi %add3A_26, %mul3A_13 : i32
        "tpu.region"() ({
          %run_scoped3A = tpu.sem_alloc : memref<!tpu.dma_semaphore, #tpu.memory_space<semaphore_mem>>
          %dma_start3A = arith.constant 12000 : i32
          %dma_start3A_84 = tpu.memref_slice %arg4[%dma_start3A] : memref<32000xf32, #tpu.memory_space<vmem>> -> memref<2000xf32, #tpu.memory_space<vmem>>
          %dma_start3A_85 = tpu.memref_slice %arg2[%add3A_27] : memref<8000000xf32, #tpu.memory_space<hbm>> -> memref<2000xf32, #tpu.memory_space<hbm>>
          %dma_start3A_86 = arith.constant 12000 : i32
          %dma_start3A_87 = tpu.memref_slice %arg4[%dma_start3A_86] : memref<32000xf32, #tpu.memory_space<vmem>> -> memref<2000xf32, #tpu.memory_space<vmem>>
          %dma_start3A_88 = tpu.memref_slice %arg2[%add3A_27] : memref<8000000xf32, #tpu.memory_space<hbm>> -> memref<2000xf32, #tpu.memory_space<hbm>>
          tpu.enqueue_dma source(%dma_start3A_88 : memref<2000xf32, #tpu.memory_space<hbm>>) target(%dma_start3A_87 : memref<2000xf32, #tpu.memory_space<vmem>>) target_semaphore(%run_scoped3A : memref<!tpu.dma_semaphore, #tpu.memory_space<semaphore_mem>>)
          %dma_wait3A = arith.constant 12000 : i32
          %dma_wait3A_89 = tpu.memref_slice %arg4[%dma_wait3A] : memref<32000xf32, #tpu.memory_space<vmem>> -> memref<2000xf32, #tpu.memory_space<vmem>>
          %dma_wait3A_90 = tpu.memref_slice %arg2[%add3A_27] : memref<8000000xf32, #tpu.memory_space<hbm>> -> memref<2000xf32, #tpu.memory_space<hbm>>
          %dma_wait3A_91 = arith.constant 12000 : i32
          %dma_wait3A_92 = tpu.memref_slice %arg4[%dma_wait3A_91] : memref<32000xf32, #tpu.memory_space<vmem>> -> memref<2000xf32, #tpu.memory_space<vmem>>
          %dma_wait3A_93 = tpu.memref_slice %arg2[%add3A_27] : memref<8000000xf32, #tpu.memory_space<hbm>> -> memref<2000xf32, #tpu.memory_space<hbm>>
          tpu.wait_dma2 semaphore(%run_scoped3A : memref<!tpu.dma_semaphore, #tpu.memory_space<semaphore_mem>>) src(%dma_wait3A_93 : memref<2000xf32, #tpu.memory_space<hbm>>) dst(%dma_wait3A_92 : memref<2000xf32, #tpu.memory_space<vmem>>)
          tpu.yield
        }) : () -> ()
        %add3A_28 = arith.constant 3500000 : i32
        %add3A_29 = arith.addi %add3A_28, %mul3A_13 : i32
        "tpu.region"() ({
          %run_scoped3A = tpu.sem_alloc : memref<!tpu.dma_semaphore, #tpu.memory_space<semaphore_mem>>
          %dma_start3A = arith.constant 14000 : i32
          %dma_start3A_84 = tpu.memref_slice %arg4[%dma_start3A] : memref<32000xf32, #tpu.memory_space<vmem>> -> memref<2000xf32, #tpu.memory_space<vmem>>
          %dma_start3A_85 = tpu.memref_slice %arg2[%add3A_29] : memref<8000000xf32, #tpu.memory_space<hbm>> -> memref<2000xf32, #tpu.memory_space<hbm>>
          %dma_start3A_86 = arith.constant 14000 : i32
          %dma_start3A_87 = tpu.memref_slice %arg4[%dma_start3A_86] : memref<32000xf32, #tpu.memory_space<vmem>> -> memref<2000xf32, #tpu.memory_space<vmem>>
          %dma_start3A_88 = tpu.memref_slice %arg2[%add3A_29] : memref<8000000xf32, #tpu.memory_space<hbm>> -> memref<2000xf32, #tpu.memory_space<hbm>>
          tpu.enqueue_dma source(%dma_start3A_88 : memref<2000xf32, #tpu.memory_space<hbm>>) target(%dma_start3A_87 : memref<2000xf32, #tpu.memory_space<vmem>>) target_semaphore(%run_scoped3A : memref<!tpu.dma_semaphore, #tpu.memory_space<semaphore_mem>>)
          %dma_wait3A = arith.constant 14000 : i32
          %dma_wait3A_89 = tpu.memref_slice %arg4[%dma_wait3A] : memref<32000xf32, #tpu.memory_space<vmem>> -> memref<2000xf32, #tpu.memory_space<vmem>>
          %dma_wait3A_90 = tpu.memref_slice %arg2[%add3A_29] : memref<8000000xf32, #tpu.memory_space<hbm>> -> memref<2000xf32, #tpu.memory_space<hbm>>
          %dma_wait3A_91 = arith.constant 14000 : i32
          %dma_wait3A_92 = tpu.memref_slice %arg4[%dma_wait3A_91] : memref<32000xf32, #tpu.memory_space<vmem>> -> memref<2000xf32, #tpu.memory_space<vmem>>
          %dma_wait3A_93 = tpu.memref_slice %arg2[%add3A_29] : memref<8000000xf32, #tpu.memory_space<hbm>> -> memref<2000xf32, #tpu.memory_space<hbm>>
          tpu.wait_dma2 semaphore(%run_scoped3A : memref<!tpu.dma_semaphore, #tpu.memory_space<semaphore_mem>>) src(%dma_wait3A_93 : memref<2000xf32, #tpu.memory_space<hbm>>) dst(%dma_wait3A_92 : memref<2000xf32, #tpu.memory_space<vmem>>)
          tpu.yield
        }) : () -> ()
        %add3A_30 = arith.constant 4000000 : i32
        %add3A_31 = arith.addi %add3A_30, %mul3A_13 : i32
        "tpu.region"() ({
          %run_scoped3A = tpu.sem_alloc : memref<!tpu.dma_semaphore, #tpu.memory_space<semaphore_mem>>
          %dma_start3A = arith.constant 16000 : i32
          %dma_start3A_84 = tpu.memref_slice %arg4[%dma_start3A] : memref<32000xf32, #tpu.memory_space<vmem>> -> memref<2000xf32, #tpu.memory_space<vmem>>
          %dma_start3A_85 = tpu.memref_slice %arg2[%add3A_31] : memref<8000000xf32, #tpu.memory_space<hbm>> -> memref<2000xf32, #tpu.memory_space<hbm>>
          %dma_start3A_86 = arith.constant 16000 : i32
          %dma_start3A_87 = tpu.memref_slice %arg4[%dma_start3A_86] : memref<32000xf32, #tpu.memory_space<vmem>> -> memref<2000xf32, #tpu.memory_space<vmem>>
          %dma_start3A_88 = tpu.memref_slice %arg2[%add3A_31] : memref<8000000xf32, #tpu.memory_space<hbm>> -> memref<2000xf32, #tpu.memory_space<hbm>>
          tpu.enqueue_dma source(%dma_start3A_88 : memref<2000xf32, #tpu.memory_space<hbm>>) target(%dma_start3A_87 : memref<2000xf32, #tpu.memory_space<vmem>>) target_semaphore(%run_scoped3A : memref<!tpu.dma_semaphore, #tpu.memory_space<semaphore_mem>>)
          %dma_wait3A = arith.constant 16000 : i32
          %dma_wait3A_89 = tpu.memref_slice %arg4[%dma_wait3A] : memref<32000xf32, #tpu.memory_space<vmem>> -> memref<2000xf32, #tpu.memory_space<vmem>>
          %dma_wait3A_90 = tpu.memref_slice %arg2[%add3A_31] : memref<8000000xf32, #tpu.memory_space<hbm>> -> memref<2000xf32, #tpu.memory_space<hbm>>
          %dma_wait3A_91 = arith.constant 16000 : i32
          %dma_wait3A_92 = tpu.memref_slice %arg4[%dma_wait3A_91] : memref<32000xf32, #tpu.memory_space<vmem>> -> memref<2000xf32, #tpu.memory_space<vmem>>
          %dma_wait3A_93 = tpu.memref_slice %arg2[%add3A_31] : memref<8000000xf32, #tpu.memory_space<hbm>> -> memref<2000xf32, #tpu.memory_space<hbm>>
          tpu.wait_dma2 semaphore(%run_scoped3A : memref<!tpu.dma_semaphore, #tpu.memory_space<semaphore_mem>>) src(%dma_wait3A_93 : memref<2000xf32, #tpu.memory_space<hbm>>) dst(%dma_wait3A_92 : memref<2000xf32, #tpu.memory_space<vmem>>)
          tpu.yield
        }) : () -> ()
        %add3A_32 = arith.constant 4500000 : i32
        %add3A_33 = arith.addi %add3A_32, %mul3A_13 : i32
        "tpu.region"() ({
          %run_scoped3A = tpu.sem_alloc : memref<!tpu.dma_semaphore, #tpu.memory_space<semaphore_mem>>
          %dma_start3A = arith.constant 18000 : i32
          %dma_start3A_84 = tpu.memref_slice %arg4[%dma_start3A] : memref<32000xf32, #tpu.memory_space<vmem>> -> memref<2000xf32, #tpu.memory_space<vmem>>
          %dma_start3A_85 = tpu.memref_slice %arg2[%add3A_33] : memref<8000000xf32, #tpu.memory_space<hbm>> -> memref<2000xf32, #tpu.memory_space<hbm>>
          %dma_start3A_86 = arith.constant 18000 : i32
          %dma_start3A_87 = tpu.memref_slice %arg4[%dma_start3A_86] : memref<32000xf32, #tpu.memory_space<vmem>> -> memref<2000xf32, #tpu.memory_space<vmem>>
          %dma_start3A_88 = tpu.memref_slice %arg2[%add3A_33] : memref<8000000xf32, #tpu.memory_space<hbm>> -> memref<2000xf32, #tpu.memory_space<hbm>>
          tpu.enqueue_dma source(%dma_start3A_88 : memref<2000xf32, #tpu.memory_space<hbm>>) target(%dma_start3A_87 : memref<2000xf32, #tpu.memory_space<vmem>>) target_semaphore(%run_scoped3A : memref<!tpu.dma_semaphore, #tpu.memory_space<semaphore_mem>>)
          %dma_wait3A = arith.constant 18000 : i32
          %dma_wait3A_89 = tpu.memref_slice %arg4[%dma_wait3A] : memref<32000xf32, #tpu.memory_space<vmem>> -> memref<2000xf32, #tpu.memory_space<vmem>>
          %dma_wait3A_90 = tpu.memref_slice %arg2[%add3A_33] : memref<8000000xf32, #tpu.memory_space<hbm>> -> memref<2000xf32, #tpu.memory_space<hbm>>
          %dma_wait3A_91 = arith.constant 18000 : i32
          %dma_wait3A_92 = tpu.memref_slice %arg4[%dma_wait3A_91] : memref<32000xf32, #tpu.memory_space<vmem>> -> memref<2000xf32, #tpu.memory_space<vmem>>
          %dma_wait3A_93 = tpu.memref_slice %arg2[%add3A_33] : memref<8000000xf32, #tpu.memory_space<hbm>> -> memref<2000xf32, #tpu.memory_space<hbm>>
          tpu.wait_dma2 semaphore(%run_scoped3A : memref<!tpu.dma_semaphore, #tpu.memory_space<semaphore_mem>>) src(%dma_wait3A_93 : memref<2000xf32, #tpu.memory_space<hbm>>) dst(%dma_wait3A_92 : memref<2000xf32, #tpu.memory_space<vmem>>)
          tpu.yield
        }) : () -> ()
        %add3A_34 = arith.constant 5000000 : i32
        %add3A_35 = arith.addi %add3A_34, %mul3A_13 : i32
        "tpu.region"() ({
          %run_scoped3A = tpu.sem_alloc : memref<!tpu.dma_semaphore, #tpu.memory_space<semaphore_mem>>
          %dma_start3A = arith.constant 20000 : i32
          %dma_start3A_84 = tpu.memref_slice %arg4[%dma_start3A] : memref<32000xf32, #tpu.memory_space<vmem>> -> memref<2000xf32, #tpu.memory_space<vmem>>
          %dma_start3A_85 = tpu.memref_slice %arg2[%add3A_35] : memref<8000000xf32, #tpu.memory_space<hbm>> -> memref<2000xf32, #tpu.memory_space<hbm>>
          %dma_start3A_86 = arith.constant 20000 : i32
          %dma_start3A_87 = tpu.memref_slice %arg4[%dma_start3A_86] : memref<32000xf32, #tpu.memory_space<vmem>> -> memref<2000xf32, #tpu.memory_space<vmem>>
          %dma_start3A_88 = tpu.memref_slice %arg2[%add3A_35] : memref<8000000xf32, #tpu.memory_space<hbm>> -> memref<2000xf32, #tpu.memory_space<hbm>>
          tpu.enqueue_dma source(%dma_start3A_88 : memref<2000xf32, #tpu.memory_space<hbm>>) target(%dma_start3A_87 : memref<2000xf32, #tpu.memory_space<vmem>>) target_semaphore(%run_scoped3A : memref<!tpu.dma_semaphore, #tpu.memory_space<semaphore_mem>>)
          %dma_wait3A = arith.constant 20000 : i32
          %dma_wait3A_89 = tpu.memref_slice %arg4[%dma_wait3A] : memref<32000xf32, #tpu.memory_space<vmem>> -> memref<2000xf32, #tpu.memory_space<vmem>>
          %dma_wait3A_90 = tpu.memref_slice %arg2[%add3A_35] : memref<8000000xf32, #tpu.memory_space<hbm>> -> memref<2000xf32, #tpu.memory_space<hbm>>
          %dma_wait3A_91 = arith.constant 20000 : i32
          %dma_wait3A_92 = tpu.memref_slice %arg4[%dma_wait3A_91] : memref<32000xf32, #tpu.memory_space<vmem>> -> memref<2000xf32, #tpu.memory_space<vmem>>
          %dma_wait3A_93 = tpu.memref_slice %arg2[%add3A_35] : memref<8000000xf32, #tpu.memory_space<hbm>> -> memref<2000xf32, #tpu.memory_space<hbm>>
          tpu.wait_dma2 semaphore(%run_scoped3A : memref<!tpu.dma_semaphore, #tpu.memory_space<semaphore_mem>>) src(%dma_wait3A_93 : memref<2000xf32, #tpu.memory_space<hbm>>) dst(%dma_wait3A_92 : memref<2000xf32, #tpu.memory_space<vmem>>)
          tpu.yield
        }) : () -> ()
        %add3A_36 = arith.constant 5500000 : i32
        %add3A_37 = arith.addi %add3A_36, %mul3A_13 : i32
        "tpu.region"() ({
          %run_scoped3A = tpu.sem_alloc : memref<!tpu.dma_semaphore, #tpu.memory_space<semaphore_mem>>
          %dma_start3A = arith.constant 22000 : i32
          %dma_start3A_84 = tpu.memref_slice %arg4[%dma_start3A] : memref<32000xf32, #tpu.memory_space<vmem>> -> memref<2000xf32, #tpu.memory_space<vmem>>
          %dma_start3A_85 = tpu.memref_slice %arg2[%add3A_37] : memref<8000000xf32, #tpu.memory_space<hbm>> -> memref<2000xf32, #tpu.memory_space<hbm>>
          %dma_start3A_86 = arith.constant 22000 : i32
          %dma_start3A_87 = tpu.memref_slice %arg4[%dma_start3A_86] : memref<32000xf32, #tpu.memory_space<vmem>> -> memref<2000xf32, #tpu.memory_space<vmem>>
          %dma_start3A_88 = tpu.memref_slice %arg2[%add3A_37] : memref<8000000xf32, #tpu.memory_space<hbm>> -> memref<2000xf32, #tpu.memory_space<hbm>>
          tpu.enqueue_dma source(%dma_start3A_88 : memref<2000xf32, #tpu.memory_space<hbm>>) target(%dma_start3A_87 : memref<2000xf32, #tpu.memory_space<vmem>>) target_semaphore(%run_scoped3A : memref<!tpu.dma_semaphore, #tpu.memory_space<semaphore_mem>>)
          %dma_wait3A = arith.constant 22000 : i32
          %dma_wait3A_89 = tpu.memref_slice %arg4[%dma_wait3A] : memref<32000xf32, #tpu.memory_space<vmem>> -> memref<2000xf32, #tpu.memory_space<vmem>>
          %dma_wait3A_90 = tpu.memref_slice %arg2[%add3A_37] : memref<8000000xf32, #tpu.memory_space<hbm>> -> memref<2000xf32, #tpu.memory_space<hbm>>
          %dma_wait3A_91 = arith.constant 22000 : i32
          %dma_wait3A_92 = tpu.memref_slice %arg4[%dma_wait3A_91] : memref<32000xf32, #tpu.memory_space<vmem>> -> memref<2000xf32, #tpu.memory_space<vmem>>
          %dma_wait3A_93 = tpu.memref_slice %arg2[%add3A_37] : memref<8000000xf32, #tpu.memory_space<hbm>> -> memref<2000xf32, #tpu.memory_space<hbm>>
          tpu.wait_dma2 semaphore(%run_scoped3A : memref<!tpu.dma_semaphore, #tpu.memory_space<semaphore_mem>>) src(%dma_wait3A_93 : memref<2000xf32, #tpu.memory_space<hbm>>) dst(%dma_wait3A_92 : memref<2000xf32, #tpu.memory_space<vmem>>)
          tpu.yield
        }) : () -> ()
        %add3A_38 = arith.constant 6000000 : i32
        %add3A_39 = arith.addi %add3A_38, %mul3A_13 : i32
        "tpu.region"() ({
          %run_scoped3A = tpu.sem_alloc : memref<!tpu.dma_semaphore, #tpu.memory_space<semaphore_mem>>
          %dma_start3A = arith.constant 24000 : i32
          %dma_start3A_84 = tpu.memref_slice %arg4[%dma_start3A] : memref<32000xf32, #tpu.memory_space<vmem>> -> memref<2000xf32, #tpu.memory_space<vmem>>
          %dma_start3A_85 = tpu.memref_slice %arg2[%add3A_39] : memref<8000000xf32, #tpu.memory_space<hbm>> -> memref<2000xf32, #tpu.memory_space<hbm>>
          %dma_start3A_86 = arith.constant 24000 : i32
          %dma_start3A_87 = tpu.memref_slice %arg4[%dma_start3A_86] : memref<32000xf32, #tpu.memory_space<vmem>> -> memref<2000xf32, #tpu.memory_space<vmem>>
          %dma_start3A_88 = tpu.memref_slice %arg2[%add3A_39] : memref<8000000xf32, #tpu.memory_space<hbm>> -> memref<2000xf32, #tpu.memory_space<hbm>>
          tpu.enqueue_dma source(%dma_start3A_88 : memref<2000xf32, #tpu.memory_space<hbm>>) target(%dma_start3A_87 : memref<2000xf32, #tpu.memory_space<vmem>>) target_semaphore(%run_scoped3A : memref<!tpu.dma_semaphore, #tpu.memory_space<semaphore_mem>>)
          %dma_wait3A = arith.constant 24000 : i32
          %dma_wait3A_89 = tpu.memref_slice %arg4[%dma_wait3A] : memref<32000xf32, #tpu.memory_space<vmem>> -> memref<2000xf32, #tpu.memory_space<vmem>>
          %dma_wait3A_90 = tpu.memref_slice %arg2[%add3A_39] : memref<8000000xf32, #tpu.memory_space<hbm>> -> memref<2000xf32, #tpu.memory_space<hbm>>
          %dma_wait3A_91 = arith.constant 24000 : i32
          %dma_wait3A_92 = tpu.memref_slice %arg4[%dma_wait3A_91] : memref<32000xf32, #tpu.memory_space<vmem>> -> memref<2000xf32, #tpu.memory_space<vmem>>
          %dma_wait3A_93 = tpu.memref_slice %arg2[%add3A_39] : memref<8000000xf32, #tpu.memory_space<hbm>> -> memref<2000xf32, #tpu.memory_space<hbm>>
          tpu.wait_dma2 semaphore(%run_scoped3A : memref<!tpu.dma_semaphore, #tpu.memory_space<semaphore_mem>>) src(%dma_wait3A_93 : memref<2000xf32, #tpu.memory_space<hbm>>) dst(%dma_wait3A_92 : memref<2000xf32, #tpu.memory_space<vmem>>)
          tpu.yield
        }) : () -> ()
        %add3A_40 = arith.constant 6500000 : i32
        %add3A_41 = arith.addi %add3A_40, %mul3A_13 : i32
        "tpu.region"() ({
          %run_scoped3A = tpu.sem_alloc : memref<!tpu.dma_semaphore, #tpu.memory_space<semaphore_mem>>
          %dma_start3A = arith.constant 26000 : i32
          %dma_start3A_84 = tpu.memref_slice %arg4[%dma_start3A] : memref<32000xf32, #tpu.memory_space<vmem>> -> memref<2000xf32, #tpu.memory_space<vmem>>
          %dma_start3A_85 = tpu.memref_slice %arg2[%add3A_41] : memref<8000000xf32, #tpu.memory_space<hbm>> -> memref<2000xf32, #tpu.memory_space<hbm>>
          %dma_start3A_86 = arith.constant 26000 : i32
          %dma_start3A_87 = tpu.memref_slice %arg4[%dma_start3A_86] : memref<32000xf32, #tpu.memory_space<vmem>> -> memref<2000xf32, #tpu.memory_space<vmem>>
          %dma_start3A_88 = tpu.memref_slice %arg2[%add3A_41] : memref<8000000xf32, #tpu.memory_space<hbm>> -> memref<2000xf32, #tpu.memory_space<hbm>>
          tpu.enqueue_dma source(%dma_start3A_88 : memref<2000xf32, #tpu.memory_space<hbm>>) target(%dma_start3A_87 : memref<2000xf32, #tpu.memory_space<vmem>>) target_semaphore(%run_scoped3A : memref<!tpu.dma_semaphore, #tpu.memory_space<semaphore_mem>>)
          %dma_wait3A = arith.constant 26000 : i32
          %dma_wait3A_89 = tpu.memref_slice %arg4[%dma_wait3A] : memref<32000xf32, #tpu.memory_space<vmem>> -> memref<2000xf32, #tpu.memory_space<vmem>>
          %dma_wait3A_90 = tpu.memref_slice %arg2[%add3A_41] : memref<8000000xf32, #tpu.memory_space<hbm>> -> memref<2000xf32, #tpu.memory_space<hbm>>
          %dma_wait3A_91 = arith.constant 26000 : i32
          %dma_wait3A_92 = tpu.memref_slice %arg4[%dma_wait3A_91] : memref<32000xf32, #tpu.memory_space<vmem>> -> memref<2000xf32, #tpu.memory_space<vmem>>
          %dma_wait3A_93 = tpu.memref_slice %arg2[%add3A_41] : memref<8000000xf32, #tpu.memory_space<hbm>> -> memref<2000xf32, #tpu.memory_space<hbm>>
          tpu.wait_dma2 semaphore(%run_scoped3A : memref<!tpu.dma_semaphore, #tpu.memory_space<semaphore_mem>>) src(%dma_wait3A_93 : memref<2000xf32, #tpu.memory_space<hbm>>) dst(%dma_wait3A_92 : memref<2000xf32, #tpu.memory_space<vmem>>)
          tpu.yield
        }) : () -> ()
        %add3A_42 = arith.constant 7000000 : i32
        %add3A_43 = arith.addi %add3A_42, %mul3A_13 : i32
        "tpu.region"() ({
          %run_scoped3A = tpu.sem_alloc : memref<!tpu.dma_semaphore, #tpu.memory_space<semaphore_mem>>
          %dma_start3A = arith.constant 28000 : i32
          %dma_start3A_84 = tpu.memref_slice %arg4[%dma_start3A] : memref<32000xf32, #tpu.memory_space<vmem>> -> memref<2000xf32, #tpu.memory_space<vmem>>
          %dma_start3A_85 = tpu.memref_slice %arg2[%add3A_43] : memref<8000000xf32, #tpu.memory_space<hbm>> -> memref<2000xf32, #tpu.memory_space<hbm>>
          %dma_start3A_86 = arith.constant 28000 : i32
          %dma_start3A_87 = tpu.memref_slice %arg4[%dma_start3A_86] : memref<32000xf32, #tpu.memory_space<vmem>> -> memref<2000xf32, #tpu.memory_space<vmem>>
          %dma_start3A_88 = tpu.memref_slice %arg2[%add3A_43] : memref<8000000xf32, #tpu.memory_space<hbm>> -> memref<2000xf32, #tpu.memory_space<hbm>>
          tpu.enqueue_dma source(%dma_start3A_88 : memref<2000xf32, #tpu.memory_space<hbm>>) target(%dma_start3A_87 : memref<2000xf32, #tpu.memory_space<vmem>>) target_semaphore(%run_scoped3A : memref<!tpu.dma_semaphore, #tpu.memory_space<semaphore_mem>>)
          %dma_wait3A = arith.constant 28000 : i32
          %dma_wait3A_89 = tpu.memref_slice %arg4[%dma_wait3A] : memref<32000xf32, #tpu.memory_space<vmem>> -> memref<2000xf32, #tpu.memory_space<vmem>>
          %dma_wait3A_90 = tpu.memref_slice %arg2[%add3A_43] : memref<8000000xf32, #tpu.memory_space<hbm>> -> memref<2000xf32, #tpu.memory_space<hbm>>
          %dma_wait3A_91 = arith.constant 28000 : i32
          %dma_wait3A_92 = tpu.memref_slice %arg4[%dma_wait3A_91] : memref<32000xf32, #tpu.memory_space<vmem>> -> memref<2000xf32, #tpu.memory_space<vmem>>
          %dma_wait3A_93 = tpu.memref_slice %arg2[%add3A_43] : memref<8000000xf32, #tpu.memory_space<hbm>> -> memref<2000xf32, #tpu.memory_space<hbm>>
          tpu.wait_dma2 semaphore(%run_scoped3A : memref<!tpu.dma_semaphore, #tpu.memory_space<semaphore_mem>>) src(%dma_wait3A_93 : memref<2000xf32, #tpu.memory_space<hbm>>) dst(%dma_wait3A_92 : memref<2000xf32, #tpu.memory_space<vmem>>)
          tpu.yield
        }) : () -> ()
        %add3A_44 = arith.constant 7500000 : i32
        %add3A_45 = arith.addi %add3A_44, %mul3A_13 : i32
        "tpu.region"() ({
          %run_scoped3A = tpu.sem_alloc : memref<!tpu.dma_semaphore, #tpu.memory_space<semaphore_mem>>
          %dma_start3A = arith.constant 30000 : i32
          %dma_start3A_84 = tpu.memref_slice %arg4[%dma_start3A] : memref<32000xf32, #tpu.memory_space<vmem>> -> memref<2000xf32, #tpu.memory_space<vmem>>
          %dma_start3A_85 = tpu.memref_slice %arg2[%add3A_45] : memref<8000000xf32, #tpu.memory_space<hbm>> -> memref<2000xf32, #tpu.memory_space<hbm>>
          %dma_start3A_86 = arith.constant 30000 : i32
          %dma_start3A_87 = tpu.memref_slice %arg4[%dma_start3A_86] : memref<32000xf32, #tpu.memory_space<vmem>> -> memref<2000xf32, #tpu.memory_space<vmem>>
          %dma_start3A_88 = tpu.memref_slice %arg2[%add3A_45] : memref<8000000xf32, #tpu.memory_space<hbm>> -> memref<2000xf32, #tpu.memory_space<hbm>>
          tpu.enqueue_dma source(%dma_start3A_88 : memref<2000xf32, #tpu.memory_space<hbm>>) target(%dma_start3A_87 : memref<2000xf32, #tpu.memory_space<vmem>>) target_semaphore(%run_scoped3A : memref<!tpu.dma_semaphore, #tpu.memory_space<semaphore_mem>>)
          %dma_wait3A = arith.constant 30000 : i32
          %dma_wait3A_89 = tpu.memref_slice %arg4[%dma_wait3A] : memref<32000xf32, #tpu.memory_space<vmem>> -> memref<2000xf32, #tpu.memory_space<vmem>>
          %dma_wait3A_90 = tpu.memref_slice %arg2[%add3A_45] : memref<8000000xf32, #tpu.memory_space<hbm>> -> memref<2000xf32, #tpu.memory_space<hbm>>
          %dma_wait3A_91 = arith.constant 30000 : i32
          %dma_wait3A_92 = tpu.memref_slice %arg4[%dma_wait3A_91] : memref<32000xf32, #tpu.memory_space<vmem>> -> memref<2000xf32, #tpu.memory_space<vmem>>
          %dma_wait3A_93 = tpu.memref_slice %arg2[%add3A_45] : memref<8000000xf32, #tpu.memory_space<hbm>> -> memref<2000xf32, #tpu.memory_space<hbm>>
          tpu.wait_dma2 semaphore(%run_scoped3A : memref<!tpu.dma_semaphore, #tpu.memory_space<semaphore_mem>>) src(%dma_wait3A_93 : memref<2000xf32, #tpu.memory_space<hbm>>) dst(%dma_wait3A_92 : memref<2000xf32, #tpu.memory_space<vmem>>)
          tpu.yield
        }) : () -> ()
        %scan3A_46 = arith.constant 0 : i32
        %scan3A_47 = arith.constant 0 : i32
        %scan3A_48 = arith.constant 125 : i32
        %scan3A_49 = arith.addi %scan3A_47, %scan3A_48 : i32
        %scan3A_50 = arith.constant 1 : i32
        scf.for %scan3A_84 = %scan3A_47 to %scan3A_49 step %scan3A_50  : i32 {
          %mul3A_85 = arith.constant 16 : i32
          %mul3A_86 = arith.muli %scan3A_84, %mul3A_85 : i32
          %get3A = arith.index_cast %mul3A_86 : i32 to index
          %get3A_87 = tpu.vector_load %arg4[%get3A] {strides = array<i32>} : memref<32000xf32, #tpu.memory_space<vmem>>, vector<16xf32>,
          %get3A_88 = vector.shape_cast %get3A_87 : vector<16xf32> to vector<16xf32>
          %broadcast_in_dim3A = arith.constant 0 : i32
          %broadcast_in_dim3A_89 = vector.broadcast %broadcast_in_dim3A : i32 to vector<16xi32>
          %add3A_90 = arith.constant 2000 : i32
          %add3A_91 = arith.addi %add3A_90, %mul3A_86 : i32
          %get3A_92 = arith.index_cast %add3A_91 : i32 to index
          %get3A_93 = tpu.vector_load %arg4[%get3A_92] {strides = array<i32>} : memref<32000xf32, #tpu.memory_space<vmem>>, vector<16xf32>,
          %get3A_94 = vector.shape_cast %get3A_93 : vector<16xf32> to vector<16xf32>
          %gt3A = arith.cmpf ogt, %get3A_94, %get3A_88 : vector<16xf32>
          %select_n3A = arith.select %gt3A, %get3A_94, %get3A_88 : vector<16xi1>, vector<16xf32>
          %jit3A = arith.constant 1 : i32
          %broadcast_in_dim3A_95 = vector.broadcast %jit3A : i32 to vector<16xi32>
          %select_n3A_96 = arith.select %gt3A, %broadcast_in_dim3A_95, %broadcast_in_dim3A_89 : vector<16xi1>, vector<16xi32>
          %add3A_97 = arith.constant 4000 : i32
          %add3A_98 = arith.addi %add3A_97, %mul3A_86 : i32
          %get3A_99 = arith.index_cast %add3A_98 : i32 to index
          %get3A_100 = tpu.vector_load %arg4[%get3A_99] {strides = array<i32>} : memref<32000xf32, #tpu.memory_space<vmem>>, vector<16xf32>,
          %get3A_101 = vector.shape_cast %get3A_100 : vector<16xf32> to vector<16xf32>
          %gt3A_102 = arith.cmpf ogt, %get3A_101, %select_n3A : vector<16xf32>
          %select_n3A_103 = arith.select %gt3A_102, %get3A_101, %select_n3A : vector<16xi1>, vector<16xf32>
          %jit3A_104 = arith.constant 2 : i32
          %broadcast_in_dim3A_105 = vector.broadcast %jit3A_104 : i32 to vector<16xi32>
          %select_n3A_106 = arith.select %gt3A_102, %broadcast_in_dim3A_105, %select_n3A_96 : vector<16xi1>, vector<16xi32>
          %add3A_107 = arith.constant 6000 : i32
          %add3A_108 = arith.addi %add3A_107, %mul3A_86 : i32
          %get3A_109 = arith.index_cast %add3A_108 : i32 to index
          %get3A_110 = tpu.vector_load %arg4[%get3A_109] {strides = array<i32>} : memref<32000xf32, #tpu.memory_space<vmem>>, vector<16xf32>,
          %get3A_111 = vector.shape_cast %get3A_110 : vector<16xf32> to vector<16xf32>
          %gt3A_112 = arith.cmpf ogt, %get3A_111, %select_n3A_103 : vector<16xf32>
          %select_n3A_113 = arith.select %gt3A_112, %get3A_111, %select_n3A_103 : vector<16xi1>, vector<16xf32>
          %jit3A_114 = arith.constant 3 : i32
          %broadcast_in_dim3A_115 = vector.broadcast %jit3A_114 : i32 to vector<16xi32>
          %select_n3A_116 = arith.select %gt3A_112, %broadcast_in_dim3A_115, %select_n3A_106 : vector<16xi1>, vector<16xi32>
          %add3A_117 = arith.constant 8000 : i32
          %add3A_118 = arith.addi %add3A_117, %mul3A_86 : i32
          %get3A_119 = arith.index_cast %add3A_118 : i32 to index
          %get3A_120 = tpu.vector_load %arg4[%get3A_119] {strides = array<i32>} : memref<32000xf32, #tpu.memory_space<vmem>>, vector<16xf32>,
          %get3A_121 = vector.shape_cast %get3A_120 : vector<16xf32> to vector<16xf32>
          %gt3A_122 = arith.cmpf ogt, %get3A_121, %select_n3A_113 : vector<16xf32>
          %select_n3A_123 = arith.select %gt3A_122, %get3A_121, %select_n3A_113 : vector<16xi1>, vector<16xf32>
          %jit3A_124 = arith.constant 4 : i32
          %broadcast_in_dim3A_125 = vector.broadcast %jit3A_124 : i32 to vector<16xi32>
          %select_n3A_126 = arith.select %gt3A_122, %broadcast_in_dim3A_125, %select_n3A_116 : vector<16xi1>, vector<16xi32>
          %add3A_127 = arith.constant 10000 : i32
          %add3A_128 = arith.addi %add3A_127, %mul3A_86 : i32
          %get3A_129 = arith.index_cast %add3A_128 : i32 to index
          %get3A_130 = tpu.vector_load %arg4[%get3A_129] {strides = array<i32>} : memref<32000xf32, #tpu.memory_space<vmem>>, vector<16xf32>,
          %get3A_131 = vector.shape_cast %get3A_130 : vector<16xf32> to vector<16xf32>
          %gt3A_132 = arith.cmpf ogt, %get3A_131, %select_n3A_123 : vector<16xf32>
          %select_n3A_133 = arith.select %gt3A_132, %get3A_131, %select_n3A_123 : vector<16xi1>, vector<16xf32>
          %jit3A_134 = arith.constant 5 : i32
          %broadcast_in_dim3A_135 = vector.broadcast %jit3A_134 : i32 to vector<16xi32>
          %select_n3A_136 = arith.select %gt3A_132, %broadcast_in_dim3A_135, %select_n3A_126 : vector<16xi1>, vector<16xi32>
          %add3A_137 = arith.constant 12000 : i32
          %add3A_138 = arith.addi %add3A_137, %mul3A_86 : i32
          %get3A_139 = arith.index_cast %add3A_138 : i32 to index
          %get3A_140 = tpu.vector_load %arg4[%get3A_139] {strides = array<i32>} : memref<32000xf32, #tpu.memory_space<vmem>>, vector<16xf32>,
          %get3A_141 = vector.shape_cast %get3A_140 : vector<16xf32> to vector<16xf32>
          %gt3A_142 = arith.cmpf ogt, %get3A_141, %select_n3A_133 : vector<16xf32>
          %select_n3A_143 = arith.select %gt3A_142, %get3A_141, %select_n3A_133 : vector<16xi1>, vector<16xf32>
          %jit3A_144 = arith.constant 6 : i32
          %broadcast_in_dim3A_145 = vector.broadcast %jit3A_144 : i32 to vector<16xi32>
          %select_n3A_146 = arith.select %gt3A_142, %broadcast_in_dim3A_145, %select_n3A_136 : vector<16xi1>, vector<16xi32>
          %add3A_147 = arith.constant 14000 : i32
          %add3A_148 = arith.addi %add3A_147, %mul3A_86 : i32
          %get3A_149 = arith.index_cast %add3A_148 : i32 to index
          %get3A_150 = tpu.vector_load %arg4[%get3A_149] {strides = array<i32>} : memref<32000xf32, #tpu.memory_space<vmem>>, vector<16xf32>,
          %get3A_151 = vector.shape_cast %get3A_150 : vector<16xf32> to vector<16xf32>
          %gt3A_152 = arith.cmpf ogt, %get3A_151, %select_n3A_143 : vector<16xf32>
          %select_n3A_153 = arith.select %gt3A_152, %get3A_151, %select_n3A_143 : vector<16xi1>, vector<16xf32>
          %jit3A_154 = arith.constant 7 : i32
          %broadcast_in_dim3A_155 = vector.broadcast %jit3A_154 : i32 to vector<16xi32>
          %select_n3A_156 = arith.select %gt3A_152, %broadcast_in_dim3A_155, %select_n3A_146 : vector<16xi1>, vector<16xi32>
          %add3A_157 = arith.constant 16000 : i32
          %add3A_158 = arith.addi %add3A_157, %mul3A_86 : i32
          %get3A_159 = arith.index_cast %add3A_158 : i32 to index
          %get3A_160 = tpu.vector_load %arg4[%get3A_159] {strides = array<i32>} : memref<32000xf32, #tpu.memory_space<vmem>>, vector<16xf32>,
          %get3A_161 = vector.shape_cast %get3A_160 : vector<16xf32> to vector<16xf32>
          %gt3A_162 = arith.cmpf ogt, %get3A_161, %select_n3A_153 : vector<16xf32>
          %select_n3A_163 = arith.select %gt3A_162, %get3A_161, %select_n3A_153 : vector<16xi1>, vector<16xf32>
          %jit3A_164 = arith.constant 8 : i32
          %broadcast_in_dim3A_165 = vector.broadcast %jit3A_164 : i32 to vector<16xi32>
          %select_n3A_166 = arith.select %gt3A_162, %broadcast_in_dim3A_165, %select_n3A_156 : vector<16xi1>, vector<16xi32>
          %add3A_167 = arith.constant 18000 : i32
          %add3A_168 = arith.addi %add3A_167, %mul3A_86 : i32
          %get3A_169 = arith.index_cast %add3A_168 : i32 to index
          %get3A_170 = tpu.vector_load %arg4[%get3A_169] {strides = array<i32>} : memref<32000xf32, #tpu.memory_space<vmem>>, vector<16xf32>,
          %get3A_171 = vector.shape_cast %get3A_170 : vector<16xf32> to vector<16xf32>
          %gt3A_172 = arith.cmpf ogt, %get3A_171, %select_n3A_163 : vector<16xf32>
          %select_n3A_173 = arith.select %gt3A_172, %get3A_171, %select_n3A_163 : vector<16xi1>, vector<16xf32>
          %jit3A_174 = arith.constant 9 : i32
          %broadcast_in_dim3A_175 = vector.broadcast %jit3A_174 : i32 to vector<16xi32>
          %select_n3A_176 = arith.select %gt3A_172, %broadcast_in_dim3A_175, %select_n3A_166 : vector<16xi1>, vector<16xi32>
          %add3A_177 = arith.constant 20000 : i32
          %add3A_178 = arith.addi %add3A_177, %mul3A_86 : i32
          %get3A_179 = arith.index_cast %add3A_178 : i32 to index
          %get3A_180 = tpu.vector_load %arg4[%get3A_179] {strides = array<i32>} : memref<32000xf32, #tpu.memory_space<vmem>>, vector<16xf32>,
          %get3A_181 = vector.shape_cast %get3A_180 : vector<16xf32> to vector<16xf32>
          %gt3A_182 = arith.cmpf ogt, %get3A_181, %select_n3A_173 : vector<16xf32>
          %select_n3A_183 = arith.select %gt3A_182, %get3A_181, %select_n3A_173 : vector<16xi1>, vector<16xf32>
          %jit3A_184 = arith.constant 10 : i32
          %broadcast_in_dim3A_185 = vector.broadcast %jit3A_184 : i32 to vector<16xi32>
          %select_n3A_186 = arith.select %gt3A_182, %broadcast_in_dim3A_185, %select_n3A_176 : vector<16xi1>, vector<16xi32>
          %add3A_187 = arith.constant 22000 : i32
          %add3A_188 = arith.addi %add3A_187, %mul3A_86 : i32
          %get3A_189 = arith.index_cast %add3A_188 : i32 to index
          %get3A_190 = tpu.vector_load %arg4[%get3A_189] {strides = array<i32>} : memref<32000xf32, #tpu.memory_space<vmem>>, vector<16xf32>,
          %get3A_191 = vector.shape_cast %get3A_190 : vector<16xf32> to vector<16xf32>
          %gt3A_192 = arith.cmpf ogt, %get3A_191, %select_n3A_183 : vector<16xf32>
          %select_n3A_193 = arith.select %gt3A_192, %get3A_191, %select_n3A_183 : vector<16xi1>, vector<16xf32>
          %jit3A_194 = arith.constant 11 : i32
          %broadcast_in_dim3A_195 = vector.broadcast %jit3A_194 : i32 to vector<16xi32>
          %select_n3A_196 = arith.select %gt3A_192, %broadcast_in_dim3A_195, %select_n3A_186 : vector<16xi1>, vector<16xi32>
          %add3A_197 = arith.constant 24000 : i32
          %add3A_198 = arith.addi %add3A_197, %mul3A_86 : i32
          %get3A_199 = arith.index_cast %add3A_198 : i32 to index
          %get3A_200 = tpu.vector_load %arg4[%get3A_199] {strides = array<i32>} : memref<32000xf32, #tpu.memory_space<vmem>>, vector<16xf32>,
          %get3A_201 = vector.shape_cast %get3A_200 : vector<16xf32> to vector<16xf32>
          %gt3A_202 = arith.cmpf ogt, %get3A_201, %select_n3A_193 : vector<16xf32>
          %select_n3A_203 = arith.select %gt3A_202, %get3A_201, %select_n3A_193 : vector<16xi1>, vector<16xf32>
          %jit3A_204 = arith.constant 12 : i32
          %broadcast_in_dim3A_205 = vector.broadcast %jit3A_204 : i32 to vector<16xi32>
          %select_n3A_206 = arith.select %gt3A_202, %broadcast_in_dim3A_205, %select_n3A_196 : vector<16xi1>, vector<16xi32>
          %add3A_207 = arith.constant 26000 : i32
          %add3A_208 = arith.addi %add3A_207, %mul3A_86 : i32
          %get3A_209 = arith.index_cast %add3A_208 : i32 to index
          %get3A_210 = tpu.vector_load %arg4[%get3A_209] {strides = array<i32>} : memref<32000xf32, #tpu.memory_space<vmem>>, vector<16xf32>,
          %get3A_211 = vector.shape_cast %get3A_210 : vector<16xf32> to vector<16xf32>
          %gt3A_212 = arith.cmpf ogt, %get3A_211, %select_n3A_203 : vector<16xf32>
          %select_n3A_213 = arith.select %gt3A_212, %get3A_211, %select_n3A_203 : vector<16xi1>, vector<16xf32>
          %jit3A_214 = arith.constant 13 : i32
          %broadcast_in_dim3A_215 = vector.broadcast %jit3A_214 : i32 to vector<16xi32>
          %select_n3A_216 = arith.select %gt3A_212, %broadcast_in_dim3A_215, %select_n3A_206 : vector<16xi1>, vector<16xi32>
          %add3A_217 = arith.constant 28000 : i32
          %add3A_218 = arith.addi %add3A_217, %mul3A_86 : i32
          %get3A_219 = arith.index_cast %add3A_218 : i32 to index
          %get3A_220 = tpu.vector_load %arg4[%get3A_219] {strides = array<i32>} : memref<32000xf32, #tpu.memory_space<vmem>>, vector<16xf32>,
          %get3A_221 = vector.shape_cast %get3A_220 : vector<16xf32> to vector<16xf32>
          %gt3A_222 = arith.cmpf ogt, %get3A_221, %select_n3A_213 : vector<16xf32>
          %select_n3A_223 = arith.select %gt3A_222, %get3A_221, %select_n3A_213 : vector<16xi1>, vector<16xf32>
          %jit3A_224 = arith.constant 14 : i32
          %broadcast_in_dim3A_225 = vector.broadcast %jit3A_224 : i32 to vector<16xi32>
          %select_n3A_226 = arith.select %gt3A_222, %broadcast_in_dim3A_225, %select_n3A_216 : vector<16xi1>, vector<16xi32>
          %add3A_227 = arith.constant 30000 : i32
          %add3A_228 = arith.addi %add3A_227, %mul3A_86 : i32
          %get3A_229 = arith.index_cast %add3A_228 : i32 to index
          %get3A_230 = tpu.vector_load %arg4[%get3A_229] {strides = array<i32>} : memref<32000xf32, #tpu.memory_space<vmem>>, vector<16xf32>,
          %get3A_231 = vector.shape_cast %get3A_230 : vector<16xf32> to vector<16xf32>
          %gt3A_232 = arith.cmpf ogt, %get3A_231, %select_n3A_223 : vector<16xf32>
          %select_n3A_233 = arith.select %gt3A_232, %get3A_231, %select_n3A_223 : vector<16xi1>, vector<16xf32>
          %jit3A_234 = arith.constant 15 : i32
          %broadcast_in_dim3A_235 = vector.broadcast %jit3A_234 : i32 to vector<16xi32>
          %select_n3A_236 = arith.select %gt3A_232, %broadcast_in_dim3A_235, %select_n3A_226 : vector<16xi1>, vector<16xi32>
          %eq3A = arith.constant 0 : i32
          %eq3A_237 = vector.broadcast %eq3A : i32 to vector<16xi32>
          %eq3A_238 = arith.cmpi eq, %select_n3A_236, %eq3A_237 : vector<16xi32>
          %jit3A_239 = arith.constant 1.000000e+00 : f32
          %jit3A_240 = arith.constant 0.000000e+00 : f32
          %broadcast_in_dim3A_241 = vector.broadcast %jit3A_239 : f32 to vector<16xf32>
          %broadcast_in_dim3A_242 = vector.broadcast %jit3A_240 : f32 to vector<16xf32>
          %select_n3A_243 = arith.select %eq3A_238, %broadcast_in_dim3A_241, %broadcast_in_dim3A_242 : vector<16xi1>, vector<16xf32>
          %add3A_244 = arith.constant 0 : i32
          %add3A_245 = arith.addi %add3A_244, %mul3A_86 : i32
          %swap3A = arith.index_cast %add3A_245 : i32 to index
          %swap3A_246 = tpu.vector_load %arg5[%swap3A] {strides = array<i32>} : memref<32000xf32, #tpu.memory_space<vmem>>, vector<16xf32>,
          %swap3A_247 = vector.shape_cast %swap3A_246 : vector<16xf32> to vector<16xf32>
          %swap3A_248 = vector.shape_cast %select_n3A_243 : vector<16xf32> to vector<16xf32>
          tpu.vector_store %arg5[%swap3A], %swap3A_248 {strides = array<i32>} : memref<32000xf32, #tpu.memory_space<vmem>>, vector<16xf32>,
          %eq3A_249 = arith.constant 1 : i32
          %eq3A_250 = vector.broadcast %eq3A_249 : i32 to vector<16xi32>
          %eq3A_251 = arith.cmpi eq, %select_n3A_236, %eq3A_250 : vector<16xi32>
          %jit3A_252 = arith.constant 1.000000e+00 : f32
          %jit3A_253 = arith.constant 0.000000e+00 : f32
          %broadcast_in_dim3A_254 = vector.broadcast %jit3A_252 : f32 to vector<16xf32>
          %broadcast_in_dim3A_255 = vector.broadcast %jit3A_253 : f32 to vector<16xf32>
          %select_n3A_256 = arith.select %eq3A_251, %broadcast_in_dim3A_254, %broadcast_in_dim3A_255 : vector<16xi1>, vector<16xf32>
          %add3A_257 = arith.constant 2000 : i32
          %add3A_258 = arith.addi %add3A_257, %mul3A_86 : i32
          %swap3A_259 = arith.index_cast %add3A_258 : i32 to index
          %swap3A_260 = tpu.vector_load %arg5[%swap3A_259] {strides = array<i32>} : memref<32000xf32, #tpu.memory_space<vmem>>, vector<16xf32>,
          %swap3A_261 = vector.shape_cast %swap3A_260 : vector<16xf32> to vector<16xf32>
          %swap3A_262 = vector.shape_cast %select_n3A_256 : vector<16xf32> to vector<16xf32>
          tpu.vector_store %arg5[%swap3A_259], %swap3A_262 {strides = array<i32>} : memref<32000xf32, #tpu.memory_space<vmem>>, vector<16xf32>,
          %eq3A_263 = arith.constant 2 : i32
          %eq3A_264 = vector.broadcast %eq3A_263 : i32 to vector<16xi32>
          %eq3A_265 = arith.cmpi eq, %select_n3A_236, %eq3A_264 : vector<16xi32>
          %jit3A_266 = arith.constant 1.000000e+00 : f32
          %jit3A_267 = arith.constant 0.000000e+00 : f32
          %broadcast_in_dim3A_268 = vector.broadcast %jit3A_266 : f32 to vector<16xf32>
          %broadcast_in_dim3A_269 = vector.broadcast %jit3A_267 : f32 to vector<16xf32>
          %select_n3A_270 = arith.select %eq3A_265, %broadcast_in_dim3A_268, %broadcast_in_dim3A_269 : vector<16xi1>, vector<16xf32>
          %add3A_271 = arith.constant 4000 : i32
          %add3A_272 = arith.addi %add3A_271, %mul3A_86 : i32
          %swap3A_273 = arith.index_cast %add3A_272 : i32 to index
          %swap3A_274 = tpu.vector_load %arg5[%swap3A_273] {strides = array<i32>} : memref<32000xf32, #tpu.memory_space<vmem>>, vector<16xf32>,
          %swap3A_275 = vector.shape_cast %swap3A_274 : vector<16xf32> to vector<16xf32>
          %swap3A_276 = vector.shape_cast %select_n3A_270 : vector<16xf32> to vector<16xf32>
          tpu.vector_store %arg5[%swap3A_273], %swap3A_276 {strides = array<i32>} : memref<32000xf32, #tpu.memory_space<vmem>>, vector<16xf32>,
          %eq3A_277 = arith.constant 3 : i32
          %eq3A_278 = vector.broadcast %eq3A_277 : i32 to vector<16xi32>
          %eq3A_279 = arith.cmpi eq, %select_n3A_236, %eq3A_278 : vector<16xi32>
          %jit3A_280 = arith.constant 1.000000e+00 : f32
          %jit3A_281 = arith.constant 0.000000e+00 : f32
          %broadcast_in_dim3A_282 = vector.broadcast %jit3A_280 : f32 to vector<16xf32>
          %broadcast_in_dim3A_283 = vector.broadcast %jit3A_281 : f32 to vector<16xf32>
          %select_n3A_284 = arith.select %eq3A_279, %broadcast_in_dim3A_282, %broadcast_in_dim3A_283 : vector<16xi1>, vector<16xf32>
          %add3A_285 = arith.constant 6000 : i32
          %add3A_286 = arith.addi %add3A_285, %mul3A_86 : i32
          %swap3A_287 = arith.index_cast %add3A_286 : i32 to index
          %swap3A_288 = tpu.vector_load %arg5[%swap3A_287] {strides = array<i32>} : memref<32000xf32, #tpu.memory_space<vmem>>, vector<16xf32>,
          %swap3A_289 = vector.shape_cast %swap3A_288 : vector<16xf32> to vector<16xf32>
          %swap3A_290 = vector.shape_cast %select_n3A_284 : vector<16xf32> to vector<16xf32>
          tpu.vector_store %arg5[%swap3A_287], %swap3A_290 {strides = array<i32>} : memref<32000xf32, #tpu.memory_space<vmem>>, vector<16xf32>,
          %eq3A_291 = arith.constant 4 : i32
          %eq3A_292 = vector.broadcast %eq3A_291 : i32 to vector<16xi32>
          %eq3A_293 = arith.cmpi eq, %select_n3A_236, %eq3A_292 : vector<16xi32>
          %jit3A_294 = arith.constant 1.000000e+00 : f32
          %jit3A_295 = arith.constant 0.000000e+00 : f32
          %broadcast_in_dim3A_296 = vector.broadcast %jit3A_294 : f32 to vector<16xf32>
          %broadcast_in_dim3A_297 = vector.broadcast %jit3A_295 : f32 to vector<16xf32>
          %select_n3A_298 = arith.select %eq3A_293, %broadcast_in_dim3A_296, %broadcast_in_dim3A_297 : vector<16xi1>, vector<16xf32>
          %add3A_299 = arith.constant 8000 : i32
          %add3A_300 = arith.addi %add3A_299, %mul3A_86 : i32
          %swap3A_301 = arith.index_cast %add3A_300 : i32 to index
          %swap3A_302 = tpu.vector_load %arg5[%swap3A_301] {strides = array<i32>} : memref<32000xf32, #tpu.memory_space<vmem>>, vector<16xf32>,
          %swap3A_303 = vector.shape_cast %swap3A_302 : vector<16xf32> to vector<16xf32>
          %swap3A_304 = vector.shape_cast %select_n3A_298 : vector<16xf32> to vector<16xf32>
          tpu.vector_store %arg5[%swap3A_301], %swap3A_304 {strides = array<i32>} : memref<32000xf32, #tpu.memory_space<vmem>>, vector<16xf32>,
          %eq3A_305 = arith.constant 5 : i32
          %eq3A_306 = vector.broadcast %eq3A_305 : i32 to vector<16xi32>
          %eq3A_307 = arith.cmpi eq, %select_n3A_236, %eq3A_306 : vector<16xi32>
          %jit3A_308 = arith.constant 1.000000e+00 : f32
          %jit3A_309 = arith.constant 0.000000e+00 : f32
          %broadcast_in_dim3A_310 = vector.broadcast %jit3A_308 : f32 to vector<16xf32>
          %broadcast_in_dim3A_311 = vector.broadcast %jit3A_309 : f32 to vector<16xf32>
          %select_n3A_312 = arith.select %eq3A_307, %broadcast_in_dim3A_310, %broadcast_in_dim3A_311 : vector<16xi1>, vector<16xf32>
          %add3A_313 = arith.constant 10000 : i32
          %add3A_314 = arith.addi %add3A_313, %mul3A_86 : i32
          %swap3A_315 = arith.index_cast %add3A_314 : i32 to index
          %swap3A_316 = tpu.vector_load %arg5[%swap3A_315] {strides = array<i32>} : memref<32000xf32, #tpu.memory_space<vmem>>, vector<16xf32>,
          %swap3A_317 = vector.shape_cast %swap3A_316 : vector<16xf32> to vector<16xf32>
          %swap3A_318 = vector.shape_cast %select_n3A_312 : vector<16xf32> to vector<16xf32>
          tpu.vector_store %arg5[%swap3A_315], %swap3A_318 {strides = array<i32>} : memref<32000xf32, #tpu.memory_space<vmem>>, vector<16xf32>,
          %eq3A_319 = arith.constant 6 : i32
          %eq3A_320 = vector.broadcast %eq3A_319 : i32 to vector<16xi32>
          %eq3A_321 = arith.cmpi eq, %select_n3A_236, %eq3A_320 : vector<16xi32>
          %jit3A_322 = arith.constant 1.000000e+00 : f32
          %jit3A_323 = arith.constant 0.000000e+00 : f32
          %broadcast_in_dim3A_324 = vector.broadcast %jit3A_322 : f32 to vector<16xf32>
          %broadcast_in_dim3A_325 = vector.broadcast %jit3A_323 : f32 to vector<16xf32>
          %select_n3A_326 = arith.select %eq3A_321, %broadcast_in_dim3A_324, %broadcast_in_dim3A_325 : vector<16xi1>, vector<16xf32>
          %add3A_327 = arith.constant 12000 : i32
          %add3A_328 = arith.addi %add3A_327, %mul3A_86 : i32
          %swap3A_329 = arith.index_cast %add3A_328 : i32 to index
          %swap3A_330 = tpu.vector_load %arg5[%swap3A_329] {strides = array<i32>} : memref<32000xf32, #tpu.memory_space<vmem>>, vector<16xf32>,
          %swap3A_331 = vector.shape_cast %swap3A_330 : vector<16xf32> to vector<16xf32>
          %swap3A_332 = vector.shape_cast %select_n3A_326 : vector<16xf32> to vector<16xf32>
          tpu.vector_store %arg5[%swap3A_329], %swap3A_332 {strides = array<i32>} : memref<32000xf32, #tpu.memory_space<vmem>>, vector<16xf32>,
          %eq3A_333 = arith.constant 7 : i32
          %eq3A_334 = vector.broadcast %eq3A_333 : i32 to vector<16xi32>
          %eq3A_335 = arith.cmpi eq, %select_n3A_236, %eq3A_334 : vector<16xi32>
          %jit3A_336 = arith.constant 1.000000e+00 : f32
          %jit3A_337 = arith.constant 0.000000e+00 : f32
          %broadcast_in_dim3A_338 = vector.broadcast %jit3A_336 : f32 to vector<16xf32>
          %broadcast_in_dim3A_339 = vector.broadcast %jit3A_337 : f32 to vector<16xf32>
          %select_n3A_340 = arith.select %eq3A_335, %broadcast_in_dim3A_338, %broadcast_in_dim3A_339 : vector<16xi1>, vector<16xf32>
          %add3A_341 = arith.constant 14000 : i32
          %add3A_342 = arith.addi %add3A_341, %mul3A_86 : i32
          %swap3A_343 = arith.index_cast %add3A_342 : i32 to index
          %swap3A_344 = tpu.vector_load %arg5[%swap3A_343] {strides = array<i32>} : memref<32000xf32, #tpu.memory_space<vmem>>, vector<16xf32>,
          %swap3A_345 = vector.shape_cast %swap3A_344 : vector<16xf32> to vector<16xf32>
          %swap3A_346 = vector.shape_cast %select_n3A_340 : vector<16xf32> to vector<16xf32>
          tpu.vector_store %arg5[%swap3A_343], %swap3A_346 {strides = array<i32>} : memref<32000xf32, #tpu.memory_space<vmem>>, vector<16xf32>,
          %eq3A_347 = arith.constant 8 : i32
          %eq3A_348 = vector.broadcast %eq3A_347 : i32 to vector<16xi32>
          %eq3A_349 = arith.cmpi eq, %select_n3A_236, %eq3A_348 : vector<16xi32>
          %jit3A_350 = arith.constant 1.000000e+00 : f32
          %jit3A_351 = arith.constant 0.000000e+00 : f32
          %broadcast_in_dim3A_352 = vector.broadcast %jit3A_350 : f32 to vector<16xf32>
          %broadcast_in_dim3A_353 = vector.broadcast %jit3A_351 : f32 to vector<16xf32>
          %select_n3A_354 = arith.select %eq3A_349, %broadcast_in_dim3A_352, %broadcast_in_dim3A_353 : vector<16xi1>, vector<16xf32>
          %add3A_355 = arith.constant 16000 : i32
          %add3A_356 = arith.addi %add3A_355, %mul3A_86 : i32
          %swap3A_357 = arith.index_cast %add3A_356 : i32 to index
          %swap3A_358 = tpu.vector_load %arg5[%swap3A_357] {strides = array<i32>} : memref<32000xf32, #tpu.memory_space<vmem>>, vector<16xf32>,
          %swap3A_359 = vector.shape_cast %swap3A_358 : vector<16xf32> to vector<16xf32>
          %swap3A_360 = vector.shape_cast %select_n3A_354 : vector<16xf32> to vector<16xf32>
          tpu.vector_store %arg5[%swap3A_357], %swap3A_360 {strides = array<i32>} : memref<32000xf32, #tpu.memory_space<vmem>>, vector<16xf32>,
          %eq3A_361 = arith.constant 9 : i32
          %eq3A_362 = vector.broadcast %eq3A_361 : i32 to vector<16xi32>
          %eq3A_363 = arith.cmpi eq, %select_n3A_236, %eq3A_362 : vector<16xi32>
          %jit3A_364 = arith.constant 1.000000e+00 : f32
          %jit3A_365 = arith.constant 0.000000e+00 : f32
          %broadcast_in_dim3A_366 = vector.broadcast %jit3A_364 : f32 to vector<16xf32>
          %broadcast_in_dim3A_367 = vector.broadcast %jit3A_365 : f32 to vector<16xf32>
          %select_n3A_368 = arith.select %eq3A_363, %broadcast_in_dim3A_366, %broadcast_in_dim3A_367 : vector<16xi1>, vector<16xf32>
          %add3A_369 = arith.constant 18000 : i32
          %add3A_370 = arith.addi %add3A_369, %mul3A_86 : i32
          %swap3A_371 = arith.index_cast %add3A_370 : i32 to index
          %swap3A_372 = tpu.vector_load %arg5[%swap3A_371] {strides = array<i32>} : memref<32000xf32, #tpu.memory_space<vmem>>, vector<16xf32>,
          %swap3A_373 = vector.shape_cast %swap3A_372 : vector<16xf32> to vector<16xf32>
          %swap3A_374 = vector.shape_cast %select_n3A_368 : vector<16xf32> to vector<16xf32>
          tpu.vector_store %arg5[%swap3A_371], %swap3A_374 {strides = array<i32>} : memref<32000xf32, #tpu.memory_space<vmem>>, vector<16xf32>,
          %eq3A_375 = arith.constant 10 : i32
          %eq3A_376 = vector.broadcast %eq3A_375 : i32 to vector<16xi32>
          %eq3A_377 = arith.cmpi eq, %select_n3A_236, %eq3A_376 : vector<16xi32>
          %jit3A_378 = arith.constant 1.000000e+00 : f32
          %jit3A_379 = arith.constant 0.000000e+00 : f32
          %broadcast_in_dim3A_380 = vector.broadcast %jit3A_378 : f32 to vector<16xf32>
          %broadcast_in_dim3A_381 = vector.broadcast %jit3A_379 : f32 to vector<16xf32>
          %select_n3A_382 = arith.select %eq3A_377, %broadcast_in_dim3A_380, %broadcast_in_dim3A_381 : vector<16xi1>, vector<16xf32>
          %add3A_383 = arith.constant 20000 : i32
          %add3A_384 = arith.addi %add3A_383, %mul3A_86 : i32
          %swap3A_385 = arith.index_cast %add3A_384 : i32 to index
          %swap3A_386 = tpu.vector_load %arg5[%swap3A_385] {strides = array<i32>} : memref<32000xf32, #tpu.memory_space<vmem>>, vector<16xf32>,
          %swap3A_387 = vector.shape_cast %swap3A_386 : vector<16xf32> to vector<16xf32>
          %swap3A_388 = vector.shape_cast %select_n3A_382 : vector<16xf32> to vector<16xf32>
          tpu.vector_store %arg5[%swap3A_385], %swap3A_388 {strides = array<i32>} : memref<32000xf32, #tpu.memory_space<vmem>>, vector<16xf32>,
          %eq3A_389 = arith.constant 11 : i32
          %eq3A_390 = vector.broadcast %eq3A_389 : i32 to vector<16xi32>
          %eq3A_391 = arith.cmpi eq, %select_n3A_236, %eq3A_390 : vector<16xi32>
          %jit3A_392 = arith.constant 1.000000e+00 : f32
          %jit3A_393 = arith.constant 0.000000e+00 : f32
          %broadcast_in_dim3A_394 = vector.broadcast %jit3A_392 : f32 to vector<16xf32>
          %broadcast_in_dim3A_395 = vector.broadcast %jit3A_393 : f32 to vector<16xf32>
          %select_n3A_396 = arith.select %eq3A_391, %broadcast_in_dim3A_394, %broadcast_in_dim3A_395 : vector<16xi1>, vector<16xf32>
          %add3A_397 = arith.constant 22000 : i32
          %add3A_398 = arith.addi %add3A_397, %mul3A_86 : i32
          %swap3A_399 = arith.index_cast %add3A_398 : i32 to index
          %swap3A_400 = tpu.vector_load %arg5[%swap3A_399] {strides = array<i32>} : memref<32000xf32, #tpu.memory_space<vmem>>, vector<16xf32>,
          %swap3A_401 = vector.shape_cast %swap3A_400 : vector<16xf32> to vector<16xf32>
          %swap3A_402 = vector.shape_cast %select_n3A_396 : vector<16xf32> to vector<16xf32>
          tpu.vector_store %arg5[%swap3A_399], %swap3A_402 {strides = array<i32>} : memref<32000xf32, #tpu.memory_space<vmem>>, vector<16xf32>,
          %eq3A_403 = arith.constant 12 : i32
          %eq3A_404 = vector.broadcast %eq3A_403 : i32 to vector<16xi32>
          %eq3A_405 = arith.cmpi eq, %select_n3A_236, %eq3A_404 : vector<16xi32>
          %jit3A_406 = arith.constant 1.000000e+00 : f32
          %jit3A_407 = arith.constant 0.000000e+00 : f32
          %broadcast_in_dim3A_408 = vector.broadcast %jit3A_406 : f32 to vector<16xf32>
          %broadcast_in_dim3A_409 = vector.broadcast %jit3A_407 : f32 to vector<16xf32>
          %select_n3A_410 = arith.select %eq3A_405, %broadcast_in_dim3A_408, %broadcast_in_dim3A_409 : vector<16xi1>, vector<16xf32>
          %add3A_411 = arith.constant 24000 : i32
          %add3A_412 = arith.addi %add3A_411, %mul3A_86 : i32
          %swap3A_413 = arith.index_cast %add3A_412 : i32 to index
          %swap3A_414 = tpu.vector_load %arg5[%swap3A_413] {strides = array<i32>} : memref<32000xf32, #tpu.memory_space<vmem>>, vector<16xf32>,
          %swap3A_415 = vector.shape_cast %swap3A_414 : vector<16xf32> to vector<16xf32>
          %swap3A_416 = vector.shape_cast %select_n3A_410 : vector<16xf32> to vector<16xf32>
          tpu.vector_store %arg5[%swap3A_413], %swap3A_416 {strides = array<i32>} : memref<32000xf32, #tpu.memory_space<vmem>>, vector<16xf32>,
          %eq3A_417 = arith.constant 13 : i32
          %eq3A_418 = vector.broadcast %eq3A_417 : i32 to vector<16xi32>
          %eq3A_419 = arith.cmpi eq, %select_n3A_236, %eq3A_418 : vector<16xi32>
          %jit3A_420 = arith.constant 1.000000e+00 : f32
          %jit3A_421 = arith.constant 0.000000e+00 : f32
          %broadcast_in_dim3A_422 = vector.broadcast %jit3A_420 : f32 to vector<16xf32>
          %broadcast_in_dim3A_423 = vector.broadcast %jit3A_421 : f32 to vector<16xf32>
          %select_n3A_424 = arith.select %eq3A_419, %broadcast_in_dim3A_422, %broadcast_in_dim3A_423 : vector<16xi1>, vector<16xf32>
          %add3A_425 = arith.constant 26000 : i32
          %add3A_426 = arith.addi %add3A_425, %mul3A_86 : i32
          %swap3A_427 = arith.index_cast %add3A_426 : i32 to index
          %swap3A_428 = tpu.vector_load %arg5[%swap3A_427] {strides = array<i32>} : memref<32000xf32, #tpu.memory_space<vmem>>, vector<16xf32>,
          %swap3A_429 = vector.shape_cast %swap3A_428 : vector<16xf32> to vector<16xf32>
          %swap3A_430 = vector.shape_cast %select_n3A_424 : vector<16xf32> to vector<16xf32>
          tpu.vector_store %arg5[%swap3A_427], %swap3A_430 {strides = array<i32>} : memref<32000xf32, #tpu.memory_space<vmem>>, vector<16xf32>,
          %eq3A_431 = arith.constant 14 : i32
          %eq3A_432 = vector.broadcast %eq3A_431 : i32 to vector<16xi32>
          %eq3A_433 = arith.cmpi eq, %select_n3A_236, %eq3A_432 : vector<16xi32>
          %jit3A_434 = arith.constant 1.000000e+00 : f32
          %jit3A_435 = arith.constant 0.000000e+00 : f32
          %broadcast_in_dim3A_436 = vector.broadcast %jit3A_434 : f32 to vector<16xf32>
          %broadcast_in_dim3A_437 = vector.broadcast %jit3A_435 : f32 to vector<16xf32>
          %select_n3A_438 = arith.select %eq3A_433, %broadcast_in_dim3A_436, %broadcast_in_dim3A_437 : vector<16xi1>, vector<16xf32>
          %add3A_439 = arith.constant 28000 : i32
          %add3A_440 = arith.addi %add3A_439, %mul3A_86 : i32
          %swap3A_441 = arith.index_cast %add3A_440 : i32 to index
          %swap3A_442 = tpu.vector_load %arg5[%swap3A_441] {strides = array<i32>} : memref<32000xf32, #tpu.memory_space<vmem>>, vector<16xf32>,
          %swap3A_443 = vector.shape_cast %swap3A_442 : vector<16xf32> to vector<16xf32>
          %swap3A_444 = vector.shape_cast %select_n3A_438 : vector<16xf32> to vector<16xf32>
          tpu.vector_store %arg5[%swap3A_441], %swap3A_444 {strides = array<i32>} : memref<32000xf32, #tpu.memory_space<vmem>>, vector<16xf32>,
          %eq3A_445 = arith.constant 15 : i32
          %eq3A_446 = vector.broadcast %eq3A_445 : i32 to vector<16xi32>
          %eq3A_447 = arith.cmpi eq, %select_n3A_236, %eq3A_446 : vector<16xi32>
          %jit3A_448 = arith.constant 1.000000e+00 : f32
          %jit3A_449 = arith.constant 0.000000e+00 : f32
          %broadcast_in_dim3A_450 = vector.broadcast %jit3A_448 : f32 to vector<16xf32>
          %broadcast_in_dim3A_451 = vector.broadcast %jit3A_449 : f32 to vector<16xf32>
          %select_n3A_452 = arith.select %eq3A_447, %broadcast_in_dim3A_450, %broadcast_in_dim3A_451 : vector<16xi1>, vector<16xf32>
          %add3A_453 = arith.constant 30000 : i32
          %add3A_454 = arith.addi %add3A_453, %mul3A_86 : i32
          %swap3A_455 = arith.index_cast %add3A_454 : i32 to index
          %swap3A_456 = tpu.vector_load %arg5[%swap3A_455] {strides = array<i32>} : memref<32000xf32, #tpu.memory_space<vmem>>, vector<16xf32>,
          %swap3A_457 = vector.shape_cast %swap3A_456 : vector<16xf32> to vector<16xf32>
          %swap3A_458 = vector.shape_cast %select_n3A_452 : vector<16xf32> to vector<16xf32>
          tpu.vector_store %arg5[%swap3A_455], %swap3A_458 {strides = array<i32>} : memref<32000xf32, #tpu.memory_space<vmem>>, vector<16xf32>,
        }
        %scan3A_51 = arith.constant 125 : i32
        %add3A_52 = arith.constant 0 : i32
        %add3A_53 = arith.addi %add3A_52, %mul3A_13 : i32
        "tpu.region"() ({
          %run_scoped3A = tpu.sem_alloc : memref<!tpu.dma_semaphore, #tpu.memory_space<semaphore_mem>>
          %dma_start3A = arith.constant 0 : i32
          %dma_start3A_84 = tpu.memref_slice %arg5[%dma_start3A] : memref<32000xf32, #tpu.memory_space<vmem>> -> memref<2000xf32, #tpu.memory_space<vmem>>
          %dma_start3A_85 = tpu.memref_slice %arg3[%add3A_53] : memref<8000000xf32, #tpu.memory_space<hbm>> -> memref<2000xf32, #tpu.memory_space<hbm>>
          %dma_start3A_86 = tpu.memref_slice %arg3[%add3A_53] : memref<8000000xf32, #tpu.memory_space<hbm>> -> memref<2000xf32, #tpu.memory_space<hbm>>
          %dma_start3A_87 = arith.constant 0 : i32
          %dma_start3A_88 = tpu.memref_slice %arg5[%dma_start3A_87] : memref<32000xf32, #tpu.memory_space<vmem>> -> memref<2000xf32, #tpu.memory_space<vmem>>
          tpu.enqueue_dma source(%dma_start3A_88 : memref<2000xf32, #tpu.memory_space<vmem>>) target(%dma_start3A_86 : memref<2000xf32, #tpu.memory_space<hbm>>) target_semaphore(%run_scoped3A : memref<!tpu.dma_semaphore, #tpu.memory_space<semaphore_mem>>)
          %dma_wait3A = arith.constant 0 : i32
          %dma_wait3A_89 = tpu.memref_slice %arg5[%dma_wait3A] : memref<32000xf32, #tpu.memory_space<vmem>> -> memref<2000xf32, #tpu.memory_space<vmem>>
          %dma_wait3A_90 = tpu.memref_slice %arg3[%add3A_53] : memref<8000000xf32, #tpu.memory_space<hbm>> -> memref<2000xf32, #tpu.memory_space<hbm>>
          %dma_wait3A_91 = tpu.memref_slice %arg3[%add3A_53] : memref<8000000xf32, #tpu.memory_space<hbm>> -> memref<2000xf32, #tpu.memory_space<hbm>>
          %dma_wait3A_92 = arith.constant 0 : i32
          %dma_wait3A_93 = tpu.memref_slice %arg5[%dma_wait3A_92] : memref<32000xf32, #tpu.memory_space<vmem>> -> memref<2000xf32, #tpu.memory_space<vmem>>
          tpu.wait_dma2 semaphore(%run_scoped3A : memref<!tpu.dma_semaphore, #tpu.memory_space<semaphore_mem>>) src(%dma_wait3A_93 : memref<2000xf32, #tpu.memory_space<vmem>>) dst(%dma_wait3A_91 : memref<2000xf32, #tpu.memory_space<hbm>>)
          tpu.yield
        }) : () -> ()
        %add3A_54 = arith.constant 500000 : i32
        %add3A_55 = arith.addi %add3A_54, %mul3A_13 : i32
        "tpu.region"() ({
          %run_scoped3A = tpu.sem_alloc : memref<!tpu.dma_semaphore, #tpu.memory_space<semaphore_mem>>
          %dma_start3A = arith.constant 2000 : i32
          %dma_start3A_84 = tpu.memref_slice %arg5[%dma_start3A] : memref<32000xf32, #tpu.memory_space<vmem>> -> memref<2000xf32, #tpu.memory_space<vmem>>
          %dma_start3A_85 = tpu.memref_slice %arg3[%add3A_55] : memref<8000000xf32, #tpu.memory_space<hbm>> -> memref<2000xf32, #tpu.memory_space<hbm>>
          %dma_start3A_86 = tpu.memref_slice %arg3[%add3A_55] : memref<8000000xf32, #tpu.memory_space<hbm>> -> memref<2000xf32, #tpu.memory_space<hbm>>
          %dma_start3A_87 = arith.constant 2000 : i32
          %dma_start3A_88 = tpu.memref_slice %arg5[%dma_start3A_87] : memref<32000xf32, #tpu.memory_space<vmem>> -> memref<2000xf32, #tpu.memory_space<vmem>>
          tpu.enqueue_dma source(%dma_start3A_88 : memref<2000xf32, #tpu.memory_space<vmem>>) target(%dma_start3A_86 : memref<2000xf32, #tpu.memory_space<hbm>>) target_semaphore(%run_scoped3A : memref<!tpu.dma_semaphore, #tpu.memory_space<semaphore_mem>>)
          %dma_wait3A = arith.constant 2000 : i32
          %dma_wait3A_89 = tpu.memref_slice %arg5[%dma_wait3A] : memref<32000xf32, #tpu.memory_space<vmem>> -> memref<2000xf32, #tpu.memory_space<vmem>>
          %dma_wait3A_90 = tpu.memref_slice %arg3[%add3A_55] : memref<8000000xf32, #tpu.memory_space<hbm>> -> memref<2000xf32, #tpu.memory_space<hbm>>
          %dma_wait3A_91 = tpu.memref_slice %arg3[%add3A_55] : memref<8000000xf32, #tpu.memory_space<hbm>> -> memref<2000xf32, #tpu.memory_space<hbm>>
          %dma_wait3A_92 = arith.constant 2000 : i32
          %dma_wait3A_93 = tpu.memref_slice %arg5[%dma_wait3A_92] : memref<32000xf32, #tpu.memory_space<vmem>> -> memref<2000xf32, #tpu.memory_space<vmem>>
          tpu.wait_dma2 semaphore(%run_scoped3A : memref<!tpu.dma_semaphore, #tpu.memory_space<semaphore_mem>>) src(%dma_wait3A_93 : memref<2000xf32, #tpu.memory_space<vmem>>) dst(%dma_wait3A_91 : memref<2000xf32, #tpu.memory_space<hbm>>)
          tpu.yield
        }) : () -> ()
        %add3A_56 = arith.constant 1000000 : i32
        %add3A_57 = arith.addi %add3A_56, %mul3A_13 : i32
        "tpu.region"() ({
          %run_scoped3A = tpu.sem_alloc : memref<!tpu.dma_semaphore, #tpu.memory_space<semaphore_mem>>
          %dma_start3A = arith.constant 4000 : i32
          %dma_start3A_84 = tpu.memref_slice %arg5[%dma_start3A] : memref<32000xf32, #tpu.memory_space<vmem>> -> memref<2000xf32, #tpu.memory_space<vmem>>
          %dma_start3A_85 = tpu.memref_slice %arg3[%add3A_57] : memref<8000000xf32, #tpu.memory_space<hbm>> -> memref<2000xf32, #tpu.memory_space<hbm>>
          %dma_start3A_86 = tpu.memref_slice %arg3[%add3A_57] : memref<8000000xf32, #tpu.memory_space<hbm>> -> memref<2000xf32, #tpu.memory_space<hbm>>
          %dma_start3A_87 = arith.constant 4000 : i32
          %dma_start3A_88 = tpu.memref_slice %arg5[%dma_start3A_87] : memref<32000xf32, #tpu.memory_space<vmem>> -> memref<2000xf32, #tpu.memory_space<vmem>>
          tpu.enqueue_dma source(%dma_start3A_88 : memref<2000xf32, #tpu.memory_space<vmem>>) target(%dma_start3A_86 : memref<2000xf32, #tpu.memory_space<hbm>>) target_semaphore(%run_scoped3A : memref<!tpu.dma_semaphore, #tpu.memory_space<semaphore_mem>>)
          %dma_wait3A = arith.constant 4000 : i32
          %dma_wait3A_89 = tpu.memref_slice %arg5[%dma_wait3A] : memref<32000xf32, #tpu.memory_space<vmem>> -> memref<2000xf32, #tpu.memory_space<vmem>>
          %dma_wait3A_90 = tpu.memref_slice %arg3[%add3A_57] : memref<8000000xf32, #tpu.memory_space<hbm>> -> memref<2000xf32, #tpu.memory_space<hbm>>
          %dma_wait3A_91 = tpu.memref_slice %arg3[%add3A_57] : memref<8000000xf32, #tpu.memory_space<hbm>> -> memref<2000xf32, #tpu.memory_space<hbm>>
          %dma_wait3A_92 = arith.constant 4000 : i32
          %dma_wait3A_93 = tpu.memref_slice %arg5[%dma_wait3A_92] : memref<32000xf32, #tpu.memory_space<vmem>> -> memref<2000xf32, #tpu.memory_space<vmem>>
          tpu.wait_dma2 semaphore(%run_scoped3A : memref<!tpu.dma_semaphore, #tpu.memory_space<semaphore_mem>>) src(%dma_wait3A_93 : memref<2000xf32, #tpu.memory_space<vmem>>) dst(%dma_wait3A_91 : memref<2000xf32, #tpu.memory_space<hbm>>)
          tpu.yield
        }) : () -> ()
        %add3A_58 = arith.constant 1500000 : i32
        %add3A_59 = arith.addi %add3A_58, %mul3A_13 : i32
        "tpu.region"() ({
          %run_scoped3A = tpu.sem_alloc : memref<!tpu.dma_semaphore, #tpu.memory_space<semaphore_mem>>
          %dma_start3A = arith.constant 6000 : i32
          %dma_start3A_84 = tpu.memref_slice %arg5[%dma_start3A] : memref<32000xf32, #tpu.memory_space<vmem>> -> memref<2000xf32, #tpu.memory_space<vmem>>
          %dma_start3A_85 = tpu.memref_slice %arg3[%add3A_59] : memref<8000000xf32, #tpu.memory_space<hbm>> -> memref<2000xf32, #tpu.memory_space<hbm>>
          %dma_start3A_86 = tpu.memref_slice %arg3[%add3A_59] : memref<8000000xf32, #tpu.memory_space<hbm>> -> memref<2000xf32, #tpu.memory_space<hbm>>
          %dma_start3A_87 = arith.constant 6000 : i32
          %dma_start3A_88 = tpu.memref_slice %arg5[%dma_start3A_87] : memref<32000xf32, #tpu.memory_space<vmem>> -> memref<2000xf32, #tpu.memory_space<vmem>>
          tpu.enqueue_dma source(%dma_start3A_88 : memref<2000xf32, #tpu.memory_space<vmem>>) target(%dma_start3A_86 : memref<2000xf32, #tpu.memory_space<hbm>>) target_semaphore(%run_scoped3A : memref<!tpu.dma_semaphore, #tpu.memory_space<semaphore_mem>>)
          %dma_wait3A = arith.constant 6000 : i32
          %dma_wait3A_89 = tpu.memref_slice %arg5[%dma_wait3A] : memref<32000xf32, #tpu.memory_space<vmem>> -> memref<2000xf32, #tpu.memory_space<vmem>>
          %dma_wait3A_90 = tpu.memref_slice %arg3[%add3A_59] : memref<8000000xf32, #tpu.memory_space<hbm>> -> memref<2000xf32, #tpu.memory_space<hbm>>
          %dma_wait3A_91 = tpu.memref_slice %arg3[%add3A_59] : memref<8000000xf32, #tpu.memory_space<hbm>> -> memref<2000xf32, #tpu.memory_space<hbm>>
          %dma_wait3A_92 = arith.constant 6000 : i32
          %dma_wait3A_93 = tpu.memref_slice %arg5[%dma_wait3A_92] : memref<32000xf32, #tpu.memory_space<vmem>> -> memref<2000xf32, #tpu.memory_space<vmem>>
          tpu.wait_dma2 semaphore(%run_scoped3A : memref<!tpu.dma_semaphore, #tpu.memory_space<semaphore_mem>>) src(%dma_wait3A_93 : memref<2000xf32, #tpu.memory_space<vmem>>) dst(%dma_wait3A_91 : memref<2000xf32, #tpu.memory_space<hbm>>)
          tpu.yield
        }) : () -> ()
        %add3A_60 = arith.constant 2000000 : i32
        %add3A_61 = arith.addi %add3A_60, %mul3A_13 : i32
        "tpu.region"() ({
          %run_scoped3A = tpu.sem_alloc : memref<!tpu.dma_semaphore, #tpu.memory_space<semaphore_mem>>
          %dma_start3A = arith.constant 8000 : i32
          %dma_start3A_84 = tpu.memref_slice %arg5[%dma_start3A] : memref<32000xf32, #tpu.memory_space<vmem>> -> memref<2000xf32, #tpu.memory_space<vmem>>
          %dma_start3A_85 = tpu.memref_slice %arg3[%add3A_61] : memref<8000000xf32, #tpu.memory_space<hbm>> -> memref<2000xf32, #tpu.memory_space<hbm>>
          %dma_start3A_86 = tpu.memref_slice %arg3[%add3A_61] : memref<8000000xf32, #tpu.memory_space<hbm>> -> memref<2000xf32, #tpu.memory_space<hbm>>
          %dma_start3A_87 = arith.constant 8000 : i32
          %dma_start3A_88 = tpu.memref_slice %arg5[%dma_start3A_87] : memref<32000xf32, #tpu.memory_space<vmem>> -> memref<2000xf32, #tpu.memory_space<vmem>>
          tpu.enqueue_dma source(%dma_start3A_88 : memref<2000xf32, #tpu.memory_space<vmem>>) target(%dma_start3A_86 : memref<2000xf32, #tpu.memory_space<hbm>>) target_semaphore(%run_scoped3A : memref<!tpu.dma_semaphore, #tpu.memory_space<semaphore_mem>>)
          %dma_wait3A = arith.constant 8000 : i32
          %dma_wait3A_89 = tpu.memref_slice %arg5[%dma_wait3A] : memref<32000xf32, #tpu.memory_space<vmem>> -> memref<2000xf32, #tpu.memory_space<vmem>>
          %dma_wait3A_90 = tpu.memref_slice %arg3[%add3A_61] : memref<8000000xf32, #tpu.memory_space<hbm>> -> memref<2000xf32, #tpu.memory_space<hbm>>
          %dma_wait3A_91 = tpu.memref_slice %arg3[%add3A_61] : memref<8000000xf32, #tpu.memory_space<hbm>> -> memref<2000xf32, #tpu.memory_space<hbm>>
          %dma_wait3A_92 = arith.constant 8000 : i32
          %dma_wait3A_93 = tpu.memref_slice %arg5[%dma_wait3A_92] : memref<32000xf32, #tpu.memory_space<vmem>> -> memref<2000xf32, #tpu.memory_space<vmem>>
          tpu.wait_dma2 semaphore(%run_scoped3A : memref<!tpu.dma_semaphore, #tpu.memory_space<semaphore_mem>>) src(%dma_wait3A_93 : memref<2000xf32, #tpu.memory_space<vmem>>) dst(%dma_wait3A_91 : memref<2000xf32, #tpu.memory_space<hbm>>)
          tpu.yield
        }) : () -> ()
        %add3A_62 = arith.constant 2500000 : i32
        %add3A_63 = arith.addi %add3A_62, %mul3A_13 : i32
        "tpu.region"() ({
          %run_scoped3A = tpu.sem_alloc : memref<!tpu.dma_semaphore, #tpu.memory_space<semaphore_mem>>
          %dma_start3A = arith.constant 10000 : i32
          %dma_start3A_84 = tpu.memref_slice %arg5[%dma_start3A] : memref<32000xf32, #tpu.memory_space<vmem>> -> memref<2000xf32, #tpu.memory_space<vmem>>
          %dma_start3A_85 = tpu.memref_slice %arg3[%add3A_63] : memref<8000000xf32, #tpu.memory_space<hbm>> -> memref<2000xf32, #tpu.memory_space<hbm>>
          %dma_start3A_86 = tpu.memref_slice %arg3[%add3A_63] : memref<8000000xf32, #tpu.memory_space<hbm>> -> memref<2000xf32, #tpu.memory_space<hbm>>
          %dma_start3A_87 = arith.constant 10000 : i32
          %dma_start3A_88 = tpu.memref_slice %arg5[%dma_start3A_87] : memref<32000xf32, #tpu.memory_space<vmem>> -> memref<2000xf32, #tpu.memory_space<vmem>>
          tpu.enqueue_dma source(%dma_start3A_88 : memref<2000xf32, #tpu.memory_space<vmem>>) target(%dma_start3A_86 : memref<2000xf32, #tpu.memory_space<hbm>>) target_semaphore(%run_scoped3A : memref<!tpu.dma_semaphore, #tpu.memory_space<semaphore_mem>>)
          %dma_wait3A = arith.constant 10000 : i32
          %dma_wait3A_89 = tpu.memref_slice %arg5[%dma_wait3A] : memref<32000xf32, #tpu.memory_space<vmem>> -> memref<2000xf32, #tpu.memory_space<vmem>>
          %dma_wait3A_90 = tpu.memref_slice %arg3[%add3A_63] : memref<8000000xf32, #tpu.memory_space<hbm>> -> memref<2000xf32, #tpu.memory_space<hbm>>
          %dma_wait3A_91 = tpu.memref_slice %arg3[%add3A_63] : memref<8000000xf32, #tpu.memory_space<hbm>> -> memref<2000xf32, #tpu.memory_space<hbm>>
          %dma_wait3A_92 = arith.constant 10000 : i32
          %dma_wait3A_93 = tpu.memref_slice %arg5[%dma_wait3A_92] : memref<32000xf32, #tpu.memory_space<vmem>> -> memref<2000xf32, #tpu.memory_space<vmem>>
          tpu.wait_dma2 semaphore(%run_scoped3A : memref<!tpu.dma_semaphore, #tpu.memory_space<semaphore_mem>>) src(%dma_wait3A_93 : memref<2000xf32, #tpu.memory_space<vmem>>) dst(%dma_wait3A_91 : memref<2000xf32, #tpu.memory_space<hbm>>)
          tpu.yield
        }) : () -> ()
        %add3A_64 = arith.constant 3000000 : i32
        %add3A_65 = arith.addi %add3A_64, %mul3A_13 : i32
        "tpu.region"() ({
          %run_scoped3A = tpu.sem_alloc : memref<!tpu.dma_semaphore, #tpu.memory_space<semaphore_mem>>
          %dma_start3A = arith.constant 12000 : i32
          %dma_start3A_84 = tpu.memref_slice %arg5[%dma_start3A] : memref<32000xf32, #tpu.memory_space<vmem>> -> memref<2000xf32, #tpu.memory_space<vmem>>
          %dma_start3A_85 = tpu.memref_slice %arg3[%add3A_65] : memref<8000000xf32, #tpu.memory_space<hbm>> -> memref<2000xf32, #tpu.memory_space<hbm>>
          %dma_start3A_86 = tpu.memref_slice %arg3[%add3A_65] : memref<8000000xf32, #tpu.memory_space<hbm>> -> memref<2000xf32, #tpu.memory_space<hbm>>
          %dma_start3A_87 = arith.constant 12000 : i32
          %dma_start3A_88 = tpu.memref_slice %arg5[%dma_start3A_87] : memref<32000xf32, #tpu.memory_space<vmem>> -> memref<2000xf32, #tpu.memory_space<vmem>>
          tpu.enqueue_dma source(%dma_start3A_88 : memref<2000xf32, #tpu.memory_space<vmem>>) target(%dma_start3A_86 : memref<2000xf32, #tpu.memory_space<hbm>>) target_semaphore(%run_scoped3A : memref<!tpu.dma_semaphore, #tpu.memory_space<semaphore_mem>>)
          %dma_wait3A = arith.constant 12000 : i32
          %dma_wait3A_89 = tpu.memref_slice %arg5[%dma_wait3A] : memref<32000xf32, #tpu.memory_space<vmem>> -> memref<2000xf32, #tpu.memory_space<vmem>>
          %dma_wait3A_90 = tpu.memref_slice %arg3[%add3A_65] : memref<8000000xf32, #tpu.memory_space<hbm>> -> memref<2000xf32, #tpu.memory_space<hbm>>
          %dma_wait3A_91 = tpu.memref_slice %arg3[%add3A_65] : memref<8000000xf32, #tpu.memory_space<hbm>> -> memref<2000xf32, #tpu.memory_space<hbm>>
          %dma_wait3A_92 = arith.constant 12000 : i32
          %dma_wait3A_93 = tpu.memref_slice %arg5[%dma_wait3A_92] : memref<32000xf32, #tpu.memory_space<vmem>> -> memref<2000xf32, #tpu.memory_space<vmem>>
          tpu.wait_dma2 semaphore(%run_scoped3A : memref<!tpu.dma_semaphore, #tpu.memory_space<semaphore_mem>>) src(%dma_wait3A_93 : memref<2000xf32, #tpu.memory_space<vmem>>) dst(%dma_wait3A_91 : memref<2000xf32, #tpu.memory_space<hbm>>)
          tpu.yield
        }) : () -> ()
        %add3A_66 = arith.constant 3500000 : i32
        %add3A_67 = arith.addi %add3A_66, %mul3A_13 : i32
        "tpu.region"() ({
          %run_scoped3A = tpu.sem_alloc : memref<!tpu.dma_semaphore, #tpu.memory_space<semaphore_mem>>
          %dma_start3A = arith.constant 14000 : i32
          %dma_start3A_84 = tpu.memref_slice %arg5[%dma_start3A] : memref<32000xf32, #tpu.memory_space<vmem>> -> memref<2000xf32, #tpu.memory_space<vmem>>
          %dma_start3A_85 = tpu.memref_slice %arg3[%add3A_67] : memref<8000000xf32, #tpu.memory_space<hbm>> -> memref<2000xf32, #tpu.memory_space<hbm>>
          %dma_start3A_86 = tpu.memref_slice %arg3[%add3A_67] : memref<8000000xf32, #tpu.memory_space<hbm>> -> memref<2000xf32, #tpu.memory_space<hbm>>
          %dma_start3A_87 = arith.constant 14000 : i32
          %dma_start3A_88 = tpu.memref_slice %arg5[%dma_start3A_87] : memref<32000xf32, #tpu.memory_space<vmem>> -> memref<2000xf32, #tpu.memory_space<vmem>>
          tpu.enqueue_dma source(%dma_start3A_88 : memref<2000xf32, #tpu.memory_space<vmem>>) target(%dma_start3A_86 : memref<2000xf32, #tpu.memory_space<hbm>>) target_semaphore(%run_scoped3A : memref<!tpu.dma_semaphore, #tpu.memory_space<semaphore_mem>>)
          %dma_wait3A = arith.constant 14000 : i32
          %dma_wait3A_89 = tpu.memref_slice %arg5[%dma_wait3A] : memref<32000xf32, #tpu.memory_space<vmem>> -> memref<2000xf32, #tpu.memory_space<vmem>>
          %dma_wait3A_90 = tpu.memref_slice %arg3[%add3A_67] : memref<8000000xf32, #tpu.memory_space<hbm>> -> memref<2000xf32, #tpu.memory_space<hbm>>
          %dma_wait3A_91 = tpu.memref_slice %arg3[%add3A_67] : memref<8000000xf32, #tpu.memory_space<hbm>> -> memref<2000xf32, #tpu.memory_space<hbm>>
          %dma_wait3A_92 = arith.constant 14000 : i32
          %dma_wait3A_93 = tpu.memref_slice %arg5[%dma_wait3A_92] : memref<32000xf32, #tpu.memory_space<vmem>> -> memref<2000xf32, #tpu.memory_space<vmem>>
          tpu.wait_dma2 semaphore(%run_scoped3A : memref<!tpu.dma_semaphore, #tpu.memory_space<semaphore_mem>>) src(%dma_wait3A_93 : memref<2000xf32, #tpu.memory_space<vmem>>) dst(%dma_wait3A_91 : memref<2000xf32, #tpu.memory_space<hbm>>)
          tpu.yield
        }) : () -> ()
        %add3A_68 = arith.constant 4000000 : i32
        %add3A_69 = arith.addi %add3A_68, %mul3A_13 : i32
        "tpu.region"() ({
          %run_scoped3A = tpu.sem_alloc : memref<!tpu.dma_semaphore, #tpu.memory_space<semaphore_mem>>
          %dma_start3A = arith.constant 16000 : i32
          %dma_start3A_84 = tpu.memref_slice %arg5[%dma_start3A] : memref<32000xf32, #tpu.memory_space<vmem>> -> memref<2000xf32, #tpu.memory_space<vmem>>
          %dma_start3A_85 = tpu.memref_slice %arg3[%add3A_69] : memref<8000000xf32, #tpu.memory_space<hbm>> -> memref<2000xf32, #tpu.memory_space<hbm>>
          %dma_start3A_86 = tpu.memref_slice %arg3[%add3A_69] : memref<8000000xf32, #tpu.memory_space<hbm>> -> memref<2000xf32, #tpu.memory_space<hbm>>
          %dma_start3A_87 = arith.constant 16000 : i32
          %dma_start3A_88 = tpu.memref_slice %arg5[%dma_start3A_87] : memref<32000xf32, #tpu.memory_space<vmem>> -> memref<2000xf32, #tpu.memory_space<vmem>>
          tpu.enqueue_dma source(%dma_start3A_88 : memref<2000xf32, #tpu.memory_space<vmem>>) target(%dma_start3A_86 : memref<2000xf32, #tpu.memory_space<hbm>>) target_semaphore(%run_scoped3A : memref<!tpu.dma_semaphore, #tpu.memory_space<semaphore_mem>>)
          %dma_wait3A = arith.constant 16000 : i32
          %dma_wait3A_89 = tpu.memref_slice %arg5[%dma_wait3A] : memref<32000xf32, #tpu.memory_space<vmem>> -> memref<2000xf32, #tpu.memory_space<vmem>>
          %dma_wait3A_90 = tpu.memref_slice %arg3[%add3A_69] : memref<8000000xf32, #tpu.memory_space<hbm>> -> memref<2000xf32, #tpu.memory_space<hbm>>
          %dma_wait3A_91 = tpu.memref_slice %arg3[%add3A_69] : memref<8000000xf32, #tpu.memory_space<hbm>> -> memref<2000xf32, #tpu.memory_space<hbm>>
          %dma_wait3A_92 = arith.constant 16000 : i32
          %dma_wait3A_93 = tpu.memref_slice %arg5[%dma_wait3A_92] : memref<32000xf32, #tpu.memory_space<vmem>> -> memref<2000xf32, #tpu.memory_space<vmem>>
          tpu.wait_dma2 semaphore(%run_scoped3A : memref<!tpu.dma_semaphore, #tpu.memory_space<semaphore_mem>>) src(%dma_wait3A_93 : memref<2000xf32, #tpu.memory_space<vmem>>) dst(%dma_wait3A_91 : memref<2000xf32, #tpu.memory_space<hbm>>)
          tpu.yield
        }) : () -> ()
        %add3A_70 = arith.constant 4500000 : i32
        %add3A_71 = arith.addi %add3A_70, %mul3A_13 : i32
        "tpu.region"() ({
          %run_scoped3A = tpu.sem_alloc : memref<!tpu.dma_semaphore, #tpu.memory_space<semaphore_mem>>
          %dma_start3A = arith.constant 18000 : i32
          %dma_start3A_84 = tpu.memref_slice %arg5[%dma_start3A] : memref<32000xf32, #tpu.memory_space<vmem>> -> memref<2000xf32, #tpu.memory_space<vmem>>
          %dma_start3A_85 = tpu.memref_slice %arg3[%add3A_71] : memref<8000000xf32, #tpu.memory_space<hbm>> -> memref<2000xf32, #tpu.memory_space<hbm>>
          %dma_start3A_86 = tpu.memref_slice %arg3[%add3A_71] : memref<8000000xf32, #tpu.memory_space<hbm>> -> memref<2000xf32, #tpu.memory_space<hbm>>
          %dma_start3A_87 = arith.constant 18000 : i32
          %dma_start3A_88 = tpu.memref_slice %arg5[%dma_start3A_87] : memref<32000xf32, #tpu.memory_space<vmem>> -> memref<2000xf32, #tpu.memory_space<vmem>>
          tpu.enqueue_dma source(%dma_start3A_88 : memref<2000xf32, #tpu.memory_space<vmem>>) target(%dma_start3A_86 : memref<2000xf32, #tpu.memory_space<hbm>>) target_semaphore(%run_scoped3A : memref<!tpu.dma_semaphore, #tpu.memory_space<semaphore_mem>>)
          %dma_wait3A = arith.constant 18000 : i32
          %dma_wait3A_89 = tpu.memref_slice %arg5[%dma_wait3A] : memref<32000xf32, #tpu.memory_space<vmem>> -> memref<2000xf32, #tpu.memory_space<vmem>>
          %dma_wait3A_90 = tpu.memref_slice %arg3[%add3A_71] : memref<8000000xf32, #tpu.memory_space<hbm>> -> memref<2000xf32, #tpu.memory_space<hbm>>
          %dma_wait3A_91 = tpu.memref_slice %arg3[%add3A_71] : memref<8000000xf32, #tpu.memory_space<hbm>> -> memref<2000xf32, #tpu.memory_space<hbm>>
          %dma_wait3A_92 = arith.constant 18000 : i32
          %dma_wait3A_93 = tpu.memref_slice %arg5[%dma_wait3A_92] : memref<32000xf32, #tpu.memory_space<vmem>> -> memref<2000xf32, #tpu.memory_space<vmem>>
          tpu.wait_dma2 semaphore(%run_scoped3A : memref<!tpu.dma_semaphore, #tpu.memory_space<semaphore_mem>>) src(%dma_wait3A_93 : memref<2000xf32, #tpu.memory_space<vmem>>) dst(%dma_wait3A_91 : memref<2000xf32, #tpu.memory_space<hbm>>)
          tpu.yield
        }) : () -> ()
        %add3A_72 = arith.constant 5000000 : i32
        %add3A_73 = arith.addi %add3A_72, %mul3A_13 : i32
        "tpu.region"() ({
          %run_scoped3A = tpu.sem_alloc : memref<!tpu.dma_semaphore, #tpu.memory_space<semaphore_mem>>
          %dma_start3A = arith.constant 20000 : i32
          %dma_start3A_84 = tpu.memref_slice %arg5[%dma_start3A] : memref<32000xf32, #tpu.memory_space<vmem>> -> memref<2000xf32, #tpu.memory_space<vmem>>
          %dma_start3A_85 = tpu.memref_slice %arg3[%add3A_73] : memref<8000000xf32, #tpu.memory_space<hbm>> -> memref<2000xf32, #tpu.memory_space<hbm>>
          %dma_start3A_86 = tpu.memref_slice %arg3[%add3A_73] : memref<8000000xf32, #tpu.memory_space<hbm>> -> memref<2000xf32, #tpu.memory_space<hbm>>
          %dma_start3A_87 = arith.constant 20000 : i32
          %dma_start3A_88 = tpu.memref_slice %arg5[%dma_start3A_87] : memref<32000xf32, #tpu.memory_space<vmem>> -> memref<2000xf32, #tpu.memory_space<vmem>>
          tpu.enqueue_dma source(%dma_start3A_88 : memref<2000xf32, #tpu.memory_space<vmem>>) target(%dma_start3A_86 : memref<2000xf32, #tpu.memory_space<hbm>>) target_semaphore(%run_scoped3A : memref<!tpu.dma_semaphore, #tpu.memory_space<semaphore_mem>>)
          %dma_wait3A = arith.constant 20000 : i32
          %dma_wait3A_89 = tpu.memref_slice %arg5[%dma_wait3A] : memref<32000xf32, #tpu.memory_space<vmem>> -> memref<2000xf32, #tpu.memory_space<vmem>>
          %dma_wait3A_90 = tpu.memref_slice %arg3[%add3A_73] : memref<8000000xf32, #tpu.memory_space<hbm>> -> memref<2000xf32, #tpu.memory_space<hbm>>
          %dma_wait3A_91 = tpu.memref_slice %arg3[%add3A_73] : memref<8000000xf32, #tpu.memory_space<hbm>> -> memref<2000xf32, #tpu.memory_space<hbm>>
          %dma_wait3A_92 = arith.constant 20000 : i32
          %dma_wait3A_93 = tpu.memref_slice %arg5[%dma_wait3A_92] : memref<32000xf32, #tpu.memory_space<vmem>> -> memref<2000xf32, #tpu.memory_space<vmem>>
          tpu.wait_dma2 semaphore(%run_scoped3A : memref<!tpu.dma_semaphore, #tpu.memory_space<semaphore_mem>>) src(%dma_wait3A_93 : memref<2000xf32, #tpu.memory_space<vmem>>) dst(%dma_wait3A_91 : memref<2000xf32, #tpu.memory_space<hbm>>)
          tpu.yield
        }) : () -> ()
        %add3A_74 = arith.constant 5500000 : i32
        %add3A_75 = arith.addi %add3A_74, %mul3A_13 : i32
        "tpu.region"() ({
          %run_scoped3A = tpu.sem_alloc : memref<!tpu.dma_semaphore, #tpu.memory_space<semaphore_mem>>
          %dma_start3A = arith.constant 22000 : i32
          %dma_start3A_84 = tpu.memref_slice %arg5[%dma_start3A] : memref<32000xf32, #tpu.memory_space<vmem>> -> memref<2000xf32, #tpu.memory_space<vmem>>
          %dma_start3A_85 = tpu.memref_slice %arg3[%add3A_75] : memref<8000000xf32, #tpu.memory_space<hbm>> -> memref<2000xf32, #tpu.memory_space<hbm>>
          %dma_start3A_86 = tpu.memref_slice %arg3[%add3A_75] : memref<8000000xf32, #tpu.memory_space<hbm>> -> memref<2000xf32, #tpu.memory_space<hbm>>
          %dma_start3A_87 = arith.constant 22000 : i32
          %dma_start3A_88 = tpu.memref_slice %arg5[%dma_start3A_87] : memref<32000xf32, #tpu.memory_space<vmem>> -> memref<2000xf32, #tpu.memory_space<vmem>>
          tpu.enqueue_dma source(%dma_start3A_88 : memref<2000xf32, #tpu.memory_space<vmem>>) target(%dma_start3A_86 : memref<2000xf32, #tpu.memory_space<hbm>>) target_semaphore(%run_scoped3A : memref<!tpu.dma_semaphore, #tpu.memory_space<semaphore_mem>>)
          %dma_wait3A = arith.constant 22000 : i32
          %dma_wait3A_89 = tpu.memref_slice %arg5[%dma_wait3A] : memref<32000xf32, #tpu.memory_space<vmem>> -> memref<2000xf32, #tpu.memory_space<vmem>>
          %dma_wait3A_90 = tpu.memref_slice %arg3[%add3A_75] : memref<8000000xf32, #tpu.memory_space<hbm>> -> memref<2000xf32, #tpu.memory_space<hbm>>
          %dma_wait3A_91 = tpu.memref_slice %arg3[%add3A_75] : memref<8000000xf32, #tpu.memory_space<hbm>> -> memref<2000xf32, #tpu.memory_space<hbm>>
          %dma_wait3A_92 = arith.constant 22000 : i32
          %dma_wait3A_93 = tpu.memref_slice %arg5[%dma_wait3A_92] : memref<32000xf32, #tpu.memory_space<vmem>> -> memref<2000xf32, #tpu.memory_space<vmem>>
          tpu.wait_dma2 semaphore(%run_scoped3A : memref<!tpu.dma_semaphore, #tpu.memory_space<semaphore_mem>>) src(%dma_wait3A_93 : memref<2000xf32, #tpu.memory_space<vmem>>) dst(%dma_wait3A_91 : memref<2000xf32, #tpu.memory_space<hbm>>)
          tpu.yield
        }) : () -> ()
        %add3A_76 = arith.constant 6000000 : i32
        %add3A_77 = arith.addi %add3A_76, %mul3A_13 : i32
        "tpu.region"() ({
          %run_scoped3A = tpu.sem_alloc : memref<!tpu.dma_semaphore, #tpu.memory_space<semaphore_mem>>
          %dma_start3A = arith.constant 24000 : i32
          %dma_start3A_84 = tpu.memref_slice %arg5[%dma_start3A] : memref<32000xf32, #tpu.memory_space<vmem>> -> memref<2000xf32, #tpu.memory_space<vmem>>
          %dma_start3A_85 = tpu.memref_slice %arg3[%add3A_77] : memref<8000000xf32, #tpu.memory_space<hbm>> -> memref<2000xf32, #tpu.memory_space<hbm>>
          %dma_start3A_86 = tpu.memref_slice %arg3[%add3A_77] : memref<8000000xf32, #tpu.memory_space<hbm>> -> memref<2000xf32, #tpu.memory_space<hbm>>
          %dma_start3A_87 = arith.constant 24000 : i32
          %dma_start3A_88 = tpu.memref_slice %arg5[%dma_start3A_87] : memref<32000xf32, #tpu.memory_space<vmem>> -> memref<2000xf32, #tpu.memory_space<vmem>>
          tpu.enqueue_dma source(%dma_start3A_88 : memref<2000xf32, #tpu.memory_space<vmem>>) target(%dma_start3A_86 : memref<2000xf32, #tpu.memory_space<hbm>>) target_semaphore(%run_scoped3A : memref<!tpu.dma_semaphore, #tpu.memory_space<semaphore_mem>>)
          %dma_wait3A = arith.constant 24000 : i32
          %dma_wait3A_89 = tpu.memref_slice %arg5[%dma_wait3A] : memref<32000xf32, #tpu.memory_space<vmem>> -> memref<2000xf32, #tpu.memory_space<vmem>>
          %dma_wait3A_90 = tpu.memref_slice %arg3[%add3A_77] : memref<8000000xf32, #tpu.memory_space<hbm>> -> memref<2000xf32, #tpu.memory_space<hbm>>
          %dma_wait3A_91 = tpu.memref_slice %arg3[%add3A_77] : memref<8000000xf32, #tpu.memory_space<hbm>> -> memref<2000xf32, #tpu.memory_space<hbm>>
          %dma_wait3A_92 = arith.constant 24000 : i32
          %dma_wait3A_93 = tpu.memref_slice %arg5[%dma_wait3A_92] : memref<32000xf32, #tpu.memory_space<vmem>> -> memref<2000xf32, #tpu.memory_space<vmem>>
          tpu.wait_dma2 semaphore(%run_scoped3A : memref<!tpu.dma_semaphore, #tpu.memory_space<semaphore_mem>>) src(%dma_wait3A_93 : memref<2000xf32, #tpu.memory_space<vmem>>) dst(%dma_wait3A_91 : memref<2000xf32, #tpu.memory_space<hbm>>)
          tpu.yield
        }) : () -> ()
        %add3A_78 = arith.constant 6500000 : i32
        %add3A_79 = arith.addi %add3A_78, %mul3A_13 : i32
        "tpu.region"() ({
          %run_scoped3A = tpu.sem_alloc : memref<!tpu.dma_semaphore, #tpu.memory_space<semaphore_mem>>
          %dma_start3A = arith.constant 26000 : i32
          %dma_start3A_84 = tpu.memref_slice %arg5[%dma_start3A] : memref<32000xf32, #tpu.memory_space<vmem>> -> memref<2000xf32, #tpu.memory_space<vmem>>
          %dma_start3A_85 = tpu.memref_slice %arg3[%add3A_79] : memref<8000000xf32, #tpu.memory_space<hbm>> -> memref<2000xf32, #tpu.memory_space<hbm>>
          %dma_start3A_86 = tpu.memref_slice %arg3[%add3A_79] : memref<8000000xf32, #tpu.memory_space<hbm>> -> memref<2000xf32, #tpu.memory_space<hbm>>
          %dma_start3A_87 = arith.constant 26000 : i32
          %dma_start3A_88 = tpu.memref_slice %arg5[%dma_start3A_87] : memref<32000xf32, #tpu.memory_space<vmem>> -> memref<2000xf32, #tpu.memory_space<vmem>>
          tpu.enqueue_dma source(%dma_start3A_88 : memref<2000xf32, #tpu.memory_space<vmem>>) target(%dma_start3A_86 : memref<2000xf32, #tpu.memory_space<hbm>>) target_semaphore(%run_scoped3A : memref<!tpu.dma_semaphore, #tpu.memory_space<semaphore_mem>>)
          %dma_wait3A = arith.constant 26000 : i32
          %dma_wait3A_89 = tpu.memref_slice %arg5[%dma_wait3A] : memref<32000xf32, #tpu.memory_space<vmem>> -> memref<2000xf32, #tpu.memory_space<vmem>>
          %dma_wait3A_90 = tpu.memref_slice %arg3[%add3A_79] : memref<8000000xf32, #tpu.memory_space<hbm>> -> memref<2000xf32, #tpu.memory_space<hbm>>
          %dma_wait3A_91 = tpu.memref_slice %arg3[%add3A_79] : memref<8000000xf32, #tpu.memory_space<hbm>> -> memref<2000xf32, #tpu.memory_space<hbm>>
          %dma_wait3A_92 = arith.constant 26000 : i32
          %dma_wait3A_93 = tpu.memref_slice %arg5[%dma_wait3A_92] : memref<32000xf32, #tpu.memory_space<vmem>> -> memref<2000xf32, #tpu.memory_space<vmem>>
          tpu.wait_dma2 semaphore(%run_scoped3A : memref<!tpu.dma_semaphore, #tpu.memory_space<semaphore_mem>>) src(%dma_wait3A_93 : memref<2000xf32, #tpu.memory_space<vmem>>) dst(%dma_wait3A_91 : memref<2000xf32, #tpu.memory_space<hbm>>)
          tpu.yield
        }) : () -> ()
        %add3A_80 = arith.constant 7000000 : i32
        %add3A_81 = arith.addi %add3A_80, %mul3A_13 : i32
        "tpu.region"() ({
          %run_scoped3A = tpu.sem_alloc : memref<!tpu.dma_semaphore, #tpu.memory_space<semaphore_mem>>
          %dma_start3A = arith.constant 28000 : i32
          %dma_start3A_84 = tpu.memref_slice %arg5[%dma_start3A] : memref<32000xf32, #tpu.memory_space<vmem>> -> memref<2000xf32, #tpu.memory_space<vmem>>
          %dma_start3A_85 = tpu.memref_slice %arg3[%add3A_81] : memref<8000000xf32, #tpu.memory_space<hbm>> -> memref<2000xf32, #tpu.memory_space<hbm>>
          %dma_start3A_86 = tpu.memref_slice %arg3[%add3A_81] : memref<8000000xf32, #tpu.memory_space<hbm>> -> memref<2000xf32, #tpu.memory_space<hbm>>
          %dma_start3A_87 = arith.constant 28000 : i32
          %dma_start3A_88 = tpu.memref_slice %arg5[%dma_start3A_87] : memref<32000xf32, #tpu.memory_space<vmem>> -> memref<2000xf32, #tpu.memory_space<vmem>>
          tpu.enqueue_dma source(%dma_start3A_88 : memref<2000xf32, #tpu.memory_space<vmem>>) target(%dma_start3A_86 : memref<2000xf32, #tpu.memory_space<hbm>>) target_semaphore(%run_scoped3A : memref<!tpu.dma_semaphore, #tpu.memory_space<semaphore_mem>>)
          %dma_wait3A = arith.constant 28000 : i32
          %dma_wait3A_89 = tpu.memref_slice %arg5[%dma_wait3A] : memref<32000xf32, #tpu.memory_space<vmem>> -> memref<2000xf32, #tpu.memory_space<vmem>>
          %dma_wait3A_90 = tpu.memref_slice %arg3[%add3A_81] : memref<8000000xf32, #tpu.memory_space<hbm>> -> memref<2000xf32, #tpu.memory_space<hbm>>
          %dma_wait3A_91 = tpu.memref_slice %arg3[%add3A_81] : memref<8000000xf32, #tpu.memory_space<hbm>> -> memref<2000xf32, #tpu.memory_space<hbm>>
          %dma_wait3A_92 = arith.constant 28000 : i32
          %dma_wait3A_93 = tpu.memref_slice %arg5[%dma_wait3A_92] : memref<32000xf32, #tpu.memory_space<vmem>> -> memref<2000xf32, #tpu.memory_space<vmem>>
          tpu.wait_dma2 semaphore(%run_scoped3A : memref<!tpu.dma_semaphore, #tpu.memory_space<semaphore_mem>>) src(%dma_wait3A_93 : memref<2000xf32, #tpu.memory_space<vmem>>) dst(%dma_wait3A_91 : memref<2000xf32, #tpu.memory_space<hbm>>)
          tpu.yield
        }) : () -> ()
        %add3A_82 = arith.constant 7500000 : i32
        %add3A_83 = arith.addi %add3A_82, %mul3A_13 : i32
        "tpu.region"() ({
          %run_scoped3A = tpu.sem_alloc : memref<!tpu.dma_semaphore, #tpu.memory_space<semaphore_mem>>
          %dma_start3A = arith.constant 30000 : i32
          %dma_start3A_84 = tpu.memref_slice %arg5[%dma_start3A] : memref<32000xf32, #tpu.memory_space<vmem>> -> memref<2000xf32, #tpu.memory_space<vmem>>
          %dma_start3A_85 = tpu.memref_slice %arg3[%add3A_83] : memref<8000000xf32, #tpu.memory_space<hbm>> -> memref<2000xf32, #tpu.memory_space<hbm>>
          %dma_start3A_86 = tpu.memref_slice %arg3[%add3A_83] : memref<8000000xf32, #tpu.memory_space<hbm>> -> memref<2000xf32, #tpu.memory_space<hbm>>
          %dma_start3A_87 = arith.constant 30000 : i32
          %dma_start3A_88 = tpu.memref_slice %arg5[%dma_start3A_87] : memref<32000xf32, #tpu.memory_space<vmem>> -> memref<2000xf32, #tpu.memory_space<vmem>>
          tpu.enqueue_dma source(%dma_start3A_88 : memref<2000xf32, #tpu.memory_space<vmem>>) target(%dma_start3A_86 : memref<2000xf32, #tpu.memory_space<hbm>>) target_semaphore(%run_scoped3A : memref<!tpu.dma_semaphore, #tpu.memory_space<semaphore_mem>>)
          %dma_wait3A = arith.constant 30000 : i32
          %dma_wait3A_89 = tpu.memref_slice %arg5[%dma_wait3A] : memref<32000xf32, #tpu.memory_space<vmem>> -> memref<2000xf32, #tpu.memory_space<vmem>>
          %dma_wait3A_90 = tpu.memref_slice %arg3[%add3A_83] : memref<8000000xf32, #tpu.memory_space<hbm>> -> memref<2000xf32, #tpu.memory_space<hbm>>
          %dma_wait3A_91 = tpu.memref_slice %arg3[%add3A_83] : memref<8000000xf32, #tpu.memory_space<hbm>> -> memref<2000xf32, #tpu.memory_space<hbm>>
          %dma_wait3A_92 = arith.constant 30000 : i32
          %dma_wait3A_93 = tpu.memref_slice %arg5[%dma_wait3A_92] : memref<32000xf32, #tpu.memory_space<vmem>> -> memref<2000xf32, #tpu.memory_space<vmem>>
          tpu.wait_dma2 semaphore(%run_scoped3A : memref<!tpu.dma_semaphore, #tpu.memory_space<semaphore_mem>>) src(%dma_wait3A_93 : memref<2000xf32, #tpu.memory_space<vmem>>) dst(%dma_wait3A_91 : memref<2000xf32, #tpu.memory_space<hbm>>)
          tpu.yield
        }) : () -> ()
      } else {
      }
    }
    %scan3A_5 = arith.constant 8 : i32
    return
  }
}

module attributes {stable_mosaic.version = 14 : i64} {
  func.func @_tc_body(%arg0: i32, %arg1: memref<3x16384xf32, #tpu.memory_space<vmem>>, %arg2: memref<20x16384xf32, #tpu.memory_space<vmem>>, %arg3: memref<64x20xf32, #tpu.memory_space<vmem>>, %arg4: memref<64x3xf32, #tpu.memory_space<vmem>>, %arg5: memref<64x1xf32, #tpu.memory_space<vmem>>, %arg6: memref<64x64xf32, #tpu.memory_space<vmem>>, %arg7: memref<64x1xf32, #tpu.memory_space<vmem>>, %arg8: memref<16x64xf32, #tpu.memory_space<vmem>>, %arg9: memref<16x1xf32, #tpu.memory_space<vmem>>, %arg10: memref<48x3xf32, #tpu.memory_space<vmem>>, %arg11: memref<48x1xf32, #tpu.memory_space<vmem>>, %arg12: memref<9x16xf32, #tpu.memory_space<vmem>>, %arg13: memref<3x16xf32, #tpu.memory_space<vmem>>, %arg14: memref<16x16384xf32, #tpu.memory_space<vmem>>, %arg15: memref<3x16384xf32, #tpu.memory_space<vmem>>, %arg16: memref<48x16384xf32, #tpu.memory_space<vmem>>) attributes {dimension_semantics = [#tpu.dimension_semantics<parallel>], iteration_bounds = array<i64: 31>, scalar_prefetch = 0 : i64, scratch_operands = 0 : i64, tpu.core_type = #tpu.core_type<tc>, window_params = [{transform_indices = @transform_0, window_bounds = array<i64: 3, 16384>}, {transform_indices = @transform_1, window_bounds = array<i64: 20, 16384>}, {pipeline_mode = #tpu.pipeline_mode<synchronous>, transform_indices = @transform_2, window_bounds = array<i64: 64, 20>}, {pipeline_mode = #tpu.pipeline_mode<synchronous>, transform_indices = @transform_3, window_bounds = array<i64: 64, 3>}, {pipeline_mode = #tpu.pipeline_mode<synchronous>, transform_indices = @transform_4, window_bounds = array<i64: 64, 1>}, {pipeline_mode = #tpu.pipeline_mode<synchronous>, transform_indices = @transform_5, window_bounds = array<i64: 64, 64>}, {pipeline_mode = #tpu.pipeline_mode<synchronous>, transform_indices = @transform_6, window_bounds = array<i64: 64, 1>}, {pipeline_mode = #tpu.pipeline_mode<synchronous>, transform_indices = @transform_7, window_bounds = array<i64: 16, 64>}, {pipeline_mode = #tpu.pipeline_mode<synchronous>, transform_indices = @transform_8, window_bounds = array<i64: 16, 1>}, {pipeline_mode = #tpu.pipeline_mode<synchronous>, transform_indices = @transform_9, window_bounds = array<i64: 48, 3>}, {pipeline_mode = #tpu.pipeline_mode<synchronous>, transform_indices = @transform_10, window_bounds = array<i64: 48, 1>}, {pipeline_mode = #tpu.pipeline_mode<synchronous>, transform_indices = @transform_11, window_bounds = array<i64: 9, 16>}, {pipeline_mode = #tpu.pipeline_mode<synchronous>, transform_indices = @transform_12, window_bounds = array<i64: 3, 16>}, {transform_indices = @transform_13, window_bounds = array<i64: 16, 16384>}, {transform_indices = @transform_14, window_bounds = array<i64: 3, 16384>}, {transform_indices = @transform_15, window_bounds = array<i64: 48, 16384>}]} {
    %get3A = arith.constant 0 : index
    %get3A_0 = arith.constant 0 : index
    %get3A_1 = vector.load %arg1[%get3A, %get3A_0] : memref<3x16384xf32, #tpu.memory_space<vmem>>, vector<3x16384xf32>
    %get3A_2 = arith.constant 0 : index
    %get3A_3 = arith.constant 0 : index
    %get3A_4 = vector.load %arg2[%get3A_2, %get3A_3] : memref<20x16384xf32, #tpu.memory_space<vmem>>, vector<20x16384xf32>
    %get3A_5 = arith.constant 0 : index
    %get3A_6 = arith.constant 0 : index
    %get3A_7 = vector.load %arg3[%get3A_5, %get3A_6] : memref<64x20xf32, #tpu.memory_space<vmem>>, vector<64x20xf32>
    %dot_general3A = arith.constant dense<0.000000e+00> : vector<64x16384xf32>
    %dot_general3A_8 = tpu.matmul %get3A_7, %get3A_4, %dot_general3A {dimension_numbers = #tpu.dot_dimension_numbers<[1], [0], [0], [1], [0, 0, 1, 1], [], []>, transpose_lhs_hint = false} : vector<64x20xf32>, vector<20x16384xf32>, vector<64x16384xf32> -> vector<64x16384xf32>
    %get3A_9 = arith.constant 0 : index
    %get3A_10 = arith.constant 0 : index
    %get3A_11 = vector.load %arg4[%get3A_9, %get3A_10] : memref<64x3xf32, #tpu.memory_space<vmem>>, vector<64x3xf32>
    %dot_general3A_12 = arith.constant dense<0.000000e+00> : vector<64x16384xf32>
    %dot_general3A_13 = tpu.matmul %get3A_11, %get3A_1, %dot_general3A_12 {dimension_numbers = #tpu.dot_dimension_numbers<[1], [0], [0], [1], [0, 0, 1, 1], [], []>, transpose_lhs_hint = false} : vector<64x3xf32>, vector<3x16384xf32>, vector<64x16384xf32> -> vector<64x16384xf32>
    %add3A = arith.addf %dot_general3A_8, %dot_general3A_13 : vector<64x16384xf32>
    %get3A_14 = arith.constant 0 : index
    %get3A_15 = arith.constant 0 : index
    %get3A_16 = vector.load %arg5[%get3A_14, %get3A_15] : memref<64x1xf32, #tpu.memory_space<vmem>>, vector<64x1xf32>
    %add3A_17 = vector.broadcast %get3A_16 : vector<64x1xf32> to vector<64x16384xf32>
    %add3A_18 = arith.addf %add3A, %add3A_17 : vector<64x16384xf32>
    %max3A = arith.constant 0.000000e+00 : f32
    %max3A_19 = vector.broadcast %max3A : f32 to vector<64x16384xf32>
    %max3A_20 = arith.maximumf %add3A_18, %max3A_19 : vector<64x16384xf32>
    %get3A_21 = arith.constant 0 : index
    %get3A_22 = arith.constant 0 : index
    %get3A_23 = vector.load %arg6[%get3A_21, %get3A_22] : memref<64x64xf32, #tpu.memory_space<vmem>>, vector<64x64xf32>
    %dot_general3A_24 = arith.constant dense<0.000000e+00> : vector<64x16384xf32>
    %dot_general3A_25 = tpu.matmul %get3A_23, %max3A_20, %dot_general3A_24 {dimension_numbers = #tpu.dot_dimension_numbers<[1], [0], [0], [1], [0, 0, 1, 1], [], []>, transpose_lhs_hint = false} : vector<64x64xf32>, vector<64x16384xf32>, vector<64x16384xf32> -> vector<64x16384xf32>
    %get3A_26 = arith.constant 0 : index
    %get3A_27 = arith.constant 0 : index
    %get3A_28 = vector.load %arg7[%get3A_26, %get3A_27] : memref<64x1xf32, #tpu.memory_space<vmem>>, vector<64x1xf32>
    %add3A_29 = vector.broadcast %get3A_28 : vector<64x1xf32> to vector<64x16384xf32>
    %add3A_30 = arith.addf %dot_general3A_25, %add3A_29 : vector<64x16384xf32>
    %max3A_31 = arith.constant 0.000000e+00 : f32
    %max3A_32 = vector.broadcast %max3A_31 : f32 to vector<64x16384xf32>
    %max3A_33 = arith.maximumf %add3A_30, %max3A_32 : vector<64x16384xf32>
    %get3A_34 = arith.constant 0 : index
    %get3A_35 = arith.constant 0 : index
    %get3A_36 = vector.load %arg8[%get3A_34, %get3A_35] : memref<16x64xf32, #tpu.memory_space<vmem>>, vector<16x64xf32>
    %dot_general3A_37 = arith.constant dense<0.000000e+00> : vector<16x16384xf32>
    %dot_general3A_38 = tpu.matmul %get3A_36, %max3A_33, %dot_general3A_37 {dimension_numbers = #tpu.dot_dimension_numbers<[1], [0], [0], [1], [0, 0, 1, 1], [], []>, transpose_lhs_hint = false} : vector<16x64xf32>, vector<64x16384xf32>, vector<16x16384xf32> -> vector<16x16384xf32>
    %get3A_39 = arith.constant 0 : index
    %get3A_40 = arith.constant 0 : index
    %get3A_41 = vector.load %arg9[%get3A_39, %get3A_40] : memref<16x1xf32, #tpu.memory_space<vmem>>, vector<16x1xf32>
    %add3A_42 = vector.broadcast %get3A_41 : vector<16x1xf32> to vector<16x16384xf32>
    %add3A_43 = arith.addf %dot_general3A_38, %add3A_42 : vector<16x16384xf32>
    %reduce_max3A = arith.constant dense<0xFF800000> : vector<16384xf32>
    %reduce_max3A_44 = vector.multi_reduction <maximumf>, %add3A_43, %reduce_max3A [0] : vector<16x16384xf32> to vector<16384xf32>
    %broadcast_in_dim3A = vector.shape_cast %reduce_max3A_44 : vector<16384xf32> to vector<1x16384xf32>
    %sub3A = vector.broadcast %broadcast_in_dim3A : vector<1x16384xf32> to vector<16x16384xf32>
    %sub3A_45 = arith.subf %add3A_43, %sub3A : vector<16x16384xf32>
    %exp3A = math.exp %sub3A_45 : vector<16x16384xf32>
    %reduce_sum3A = arith.constant dense<0.000000e+00> : vector<16384xf32>
    %reduce_sum3A_46 = vector.multi_reduction <add>, %exp3A, %reduce_sum3A [0] : vector<16x16384xf32> to vector<16384xf32>
    %broadcast_in_dim3A_47 = vector.shape_cast %reduce_sum3A_46 : vector<16384xf32> to vector<1x16384xf32>
    %div3A = arith.constant 1.000000e+00 : f32
    %div3A_48 = vector.broadcast %div3A : f32 to vector<1x16384xf32>
    %div3A_49 = arith.divf %div3A_48, %broadcast_in_dim3A_47 : vector<1x16384xf32>
    %mul3A = vector.broadcast %div3A_49 : vector<1x16384xf32> to vector<16x16384xf32>
    %mul3A_50 = arith.mulf %exp3A, %mul3A : vector<16x16384xf32>
    %swap3A = arith.constant 0 : index
    %swap3A_51 = arith.constant 0 : index
    %swap3A_52 = vector.load %arg14[%swap3A, %swap3A_51] : memref<16x16384xf32, #tpu.memory_space<vmem>>, vector<16x16384xf32>
    tpu.vector_store %arg14[%swap3A, %swap3A_51], %mul3A_50 {strides = array<i32>} : memref<16x16384xf32, #tpu.memory_space<vmem>>, vector<16x16384xf32>,
    %get3A_53 = arith.constant 0 : index
    %get3A_54 = arith.constant 0 : index
    %get3A_55 = vector.load %arg10[%get3A_53, %get3A_54] : memref<48x3xf32, #tpu.memory_space<vmem>>, vector<48x3xf32>
    %dot_general3A_56 = arith.constant dense<0.000000e+00> : vector<48x16384xf32>
    %dot_general3A_57 = tpu.matmul %get3A_55, %get3A_1, %dot_general3A_56 {dimension_numbers = #tpu.dot_dimension_numbers<[1], [0], [0], [1], [0, 0, 1, 1], [], []>, transpose_lhs_hint = false} : vector<48x3xf32>, vector<3x16384xf32>, vector<48x16384xf32> -> vector<48x16384xf32>
    %get3A_58 = arith.constant 0 : index
    %get3A_59 = arith.constant 0 : index
    %get3A_60 = vector.load %arg11[%get3A_58, %get3A_59] : memref<48x1xf32, #tpu.memory_space<vmem>>, vector<48x1xf32>
    %add3A_61 = vector.broadcast %get3A_60 : vector<48x1xf32> to vector<48x16384xf32>
    %add3A_62 = arith.addf %dot_general3A_57, %add3A_61 : vector<48x16384xf32>
    %swap3A_63 = arith.constant 0 : index
    %swap3A_64 = arith.constant 0 : index
    %swap3A_65 = vector.load %arg16[%swap3A_63, %swap3A_64] : memref<48x16384xf32, #tpu.memory_space<vmem>>, vector<48x16384xf32>
    tpu.vector_store %arg16[%swap3A_63, %swap3A_64], %add3A_62 {strides = array<i32>} : memref<48x16384xf32, #tpu.memory_space<vmem>>, vector<48x16384xf32>,
    %iota3A = tpu.iota {dimensions = array<i32: 0>} : vector<16x16384xi32>
    %ge3A = vector.broadcast %broadcast_in_dim3A : vector<1x16384xf32> to vector<16x16384xf32>
    %ge3A_66 = arith.cmpf oge, %add3A_43, %ge3A : vector<16x16384xf32>
    %jit3A = arith.constant 16 : i32
    %broadcast_in_dim3A_67 = vector.broadcast %jit3A : i32 to vector<16x16384xi32>
    %select_n3A = arith.select %ge3A_66, %iota3A, %broadcast_in_dim3A_67 : vector<16x16384xi1>, vector<16x16384xi32>
    %reduce_min3A = arith.constant dense<2147483647> : vector<16384xi32>
    %reduce_min3A_68 = vector.multi_reduction <minsi>, %select_n3A, %reduce_min3A [0] : vector<16x16384xi32> to vector<16384xi32>
    %broadcast_in_dim3A_69 = vector.shape_cast %reduce_min3A_68 : vector<16384xi32> to vector<1x16384xi32>
    %eq3A = vector.broadcast %broadcast_in_dim3A_69 : vector<1x16384xi32> to vector<16x16384xi32>
    %eq3A_70 = arith.cmpi eq, %iota3A, %eq3A : vector<16x16384xi32>
    %convert_element_type3A = arith.extui %eq3A_70 : vector<16x16384xi1> to vector<16x16384xi32>
    %convert_element_type3A_71 = arith.sitofp %convert_element_type3A : vector<16x16384xi32> to vector<16x16384xf32>
    %get3A_72 = arith.constant 0 : index
    %get3A_73 = arith.constant 0 : index
    %get3A_74 = vector.load %arg12[%get3A_72, %get3A_73] : memref<9x16xf32, #tpu.memory_space<vmem>>, vector<9x16xf32>
    %dot_general3A_75 = arith.constant dense<0.000000e+00> : vector<9x16384xf32>
    %dot_general3A_76 = tpu.matmul %get3A_74, %convert_element_type3A_71, %dot_general3A_75 {dimension_numbers = #tpu.dot_dimension_numbers<[1], [0], [0], [1], [0, 0, 1, 1], [], []>, transpose_lhs_hint = false} : vector<9x16xf32>, vector<16x16384xf32>, vector<9x16384xf32> -> vector<9x16384xf32>
    %get3A_77 = arith.constant 0 : index
    %get3A_78 = arith.constant 0 : index
    %get3A_79 = vector.load %arg13[%get3A_77, %get3A_78] : memref<3x16xf32, #tpu.memory_space<vmem>>, vector<3x16xf32>
    %dot_general3A_80 = arith.constant dense<0.000000e+00> : vector<3x16384xf32>
    %dot_general3A_81 = tpu.matmul %get3A_79, %convert_element_type3A_71, %dot_general3A_80 {dimension_numbers = #tpu.dot_dimension_numbers<[1], [0], [0], [1], [0, 0, 1, 1], [], []>, transpose_lhs_hint = false} : vector<3x16xf32>, vector<16x16384xf32>, vector<3x16384xf32> -> vector<3x16384xf32>
    %slice3A = vector.extract_strided_slice %get3A_1 {offsets = [0, 0], sizes = [1, 16384], strides = [1, 1]} : vector<3x16384xf32> to vector<1x16384xf32>
    %broadcast_in_dim3A_82 = vector.shape_cast %slice3A : vector<1x16384xf32> to vector<1x16384xf32>
    %broadcast_in_dim3A_83 = vector.broadcast %broadcast_in_dim3A_82 : vector<1x16384xf32> to vector<3x16384xf32>
    %slice3A_84 = vector.extract_strided_slice %dot_general3A_76 {offsets = [0, 0], sizes = [3, 16384], strides = [1, 1]} : vector<9x16384xf32> to vector<3x16384xf32>
    %mul3A_85 = arith.mulf %broadcast_in_dim3A_83, %slice3A_84 : vector<3x16384xf32>
    %add3A_86 = arith.addf %dot_general3A_81, %mul3A_85 : vector<3x16384xf32>
    %slice3A_87 = vector.extract_strided_slice %get3A_1 {offsets = [1, 0], sizes = [1, 16384], strides = [1, 1]} : vector<3x16384xf32> to vector<1x16384xf32>
    %broadcast_in_dim3A_88 = vector.shape_cast %slice3A_87 : vector<1x16384xf32> to vector<1x16384xf32>
    %broadcast_in_dim3A_89 = vector.broadcast %broadcast_in_dim3A_88 : vector<1x16384xf32> to vector<3x16384xf32>
    %slice3A_90 = vector.extract_strided_slice %dot_general3A_76 {offsets = [3, 0], sizes = [3, 16384], strides = [1, 1]} : vector<9x16384xf32> to vector<3x16384xf32>
    %mul3A_91 = arith.mulf %broadcast_in_dim3A_89, %slice3A_90 : vector<3x16384xf32>
    %add3A_92 = arith.addf %add3A_86, %mul3A_91 : vector<3x16384xf32>
    %slice3A_93 = vector.extract_strided_slice %get3A_1 {offsets = [2, 0], sizes = [1, 16384], strides = [1, 1]} : vector<3x16384xf32> to vector<1x16384xf32>
    %broadcast_in_dim3A_94 = vector.shape_cast %slice3A_93 : vector<1x16384xf32> to vector<1x16384xf32>
    %broadcast_in_dim3A_95 = vector.broadcast %broadcast_in_dim3A_94 : vector<1x16384xf32> to vector<3x16384xf32>
    %slice3A_96 = vector.extract_strided_slice %dot_general3A_76 {offsets = [6, 0], sizes = [3, 16384], strides = [1, 1]} : vector<9x16384xf32> to vector<3x16384xf32>
    %mul3A_97 = arith.mulf %broadcast_in_dim3A_95, %slice3A_96 : vector<3x16384xf32>
    %add3A_98 = arith.addf %add3A_92, %mul3A_97 : vector<3x16384xf32>
    %swap3A_99 = arith.constant 0 : index
    %swap3A_100 = arith.constant 0 : index
    %swap3A_101 = vector.load %arg15[%swap3A_99, %swap3A_100] : memref<3x16384xf32, #tpu.memory_space<vmem>>, vector<3x16384xf32>
    tpu.vector_store %arg15[%swap3A_99, %swap3A_100], %add3A_98 {strides = array<i32>} : memref<3x16384xf32, #tpu.memory_space<vmem>>, vector<3x16384xf32>,
    return
  }
  func.func @transform_0(%arg0: i32) -> (i32, i32) {
    %c0_i32 = arith.constant 0 : i32
    %c0_i32_0 = arith.constant 0 : i32
    return %c0_i32, %arg0 : i32, i32
  }
  func.func @transform_1(%arg0: i32) -> (i32, i32) {
    %c0_i32 = arith.constant 0 : i32
    %c0_i32_0 = arith.constant 0 : i32
    return %c0_i32, %arg0 : i32, i32
  }
  func.func @transform_2(%arg0: i32) -> (i32, i32) {
    %c0_i32 = arith.constant 0 : i32
    %c0_i32_0 = arith.constant 0 : i32
    %c0_i32_1 = arith.constant 0 : i32
    return %c0_i32, %c0_i32_0 : i32, i32
  }
  func.func @transform_3(%arg0: i32) -> (i32, i32) {
    %c0_i32 = arith.constant 0 : i32
    %c0_i32_0 = arith.constant 0 : i32
    %c0_i32_1 = arith.constant 0 : i32
    return %c0_i32, %c0_i32_0 : i32, i32
  }
  func.func @transform_4(%arg0: i32) -> (i32, i32) {
    %c0_i32 = arith.constant 0 : i32
    %c0_i32_0 = arith.constant 0 : i32
    %c0_i32_1 = arith.constant 0 : i32
    return %c0_i32, %c0_i32_0 : i32, i32
  }
  func.func @transform_5(%arg0: i32) -> (i32, i32) {
    %c0_i32 = arith.constant 0 : i32
    %c0_i32_0 = arith.constant 0 : i32
    %c0_i32_1 = arith.constant 0 : i32
    return %c0_i32, %c0_i32_0 : i32, i32
  }
  func.func @transform_6(%arg0: i32) -> (i32, i32) {
    %c0_i32 = arith.constant 0 : i32
    %c0_i32_0 = arith.constant 0 : i32
    %c0_i32_1 = arith.constant 0 : i32
    return %c0_i32, %c0_i32_0 : i32, i32
  }
  func.func @transform_7(%arg0: i32) -> (i32, i32) {
    %c0_i32 = arith.constant 0 : i32
    %c0_i32_0 = arith.constant 0 : i32
    %c0_i32_1 = arith.constant 0 : i32
    return %c0_i32, %c0_i32_0 : i32, i32
  }
  func.func @transform_8(%arg0: i32) -> (i32, i32) {
    %c0_i32 = arith.constant 0 : i32
    %c0_i32_0 = arith.constant 0 : i32
    %c0_i32_1 = arith.constant 0 : i32
    return %c0_i32, %c0_i32_0 : i32, i32
  }
  func.func @transform_9(%arg0: i32) -> (i32, i32) {
    %c0_i32 = arith.constant 0 : i32
    %c0_i32_0 = arith.constant 0 : i32
    %c0_i32_1 = arith.constant 0 : i32
    return %c0_i32, %c0_i32_0 : i32, i32
  }
  func.func @transform_10(%arg0: i32) -> (i32, i32) {
    %c0_i32 = arith.constant 0 : i32
    %c0_i32_0 = arith.constant 0 : i32
    %c0_i32_1 = arith.constant 0 : i32
    return %c0_i32, %c0_i32_0 : i32, i32
  }
  func.func @transform_11(%arg0: i32) -> (i32, i32) {
    %c0_i32 = arith.constant 0 : i32
    %c0_i32_0 = arith.constant 0 : i32
    %c0_i32_1 = arith.constant 0 : i32
    return %c0_i32, %c0_i32_0 : i32, i32
  }
  func.func @transform_12(%arg0: i32) -> (i32, i32) {
    %c0_i32 = arith.constant 0 : i32
    %c0_i32_0 = arith.constant 0 : i32
    %c0_i32_1 = arith.constant 0 : i32
    return %c0_i32, %c0_i32_0 : i32, i32
  }
  func.func @transform_13(%arg0: i32) -> (i32, i32) {
    %c0_i32 = arith.constant 0 : i32
    %c0_i32_0 = arith.constant 0 : i32
    return %c0_i32, %arg0 : i32, i32
  }
  func.func @transform_14(%arg0: i32) -> (i32, i32) {
    %c0_i32 = arith.constant 0 : i32
    %c0_i32_0 = arith.constant 0 : i32
    return %c0_i32, %arg0 : i32, i32
  }
  func.func @transform_15(%arg0: i32) -> (i32, i32) {
    %c0_i32 = arith.constant 0 : i32
    %c0_i32_0 = arith.constant 0 : i32
    return %c0_i32, %arg0 : i32, i32
  }
}

</mosaic_0001>

<sc_bundles>
// kernel: kernel.4.cloned.1.call-start
scs
__scs_entry_jumppad:
0x0: {  	(pc) =	sbr.rel $0x88, $3  }
0x1: {  	(tag) =	ssettag $0x0;
	lr =	simm.s32 $0x1  }
0x2: {  	[smem:$0x3F97] =	sst lr;
	_ =	strace $0xD0000000  }
0x3: {  	_ = 	snop  }
0x4: {  	_ = 	snop  }
0x5: {  	_ = 	snop  }
0x6: {  	_ = 	snop  }
0x7: {  	_ = 	snop  }
__scs_overlays_trampoline_lowered:
0x8: {  	[smem:$0x3FA6] =	sst s0  }
0x9: {  	[smem:$0x3FA7] =	sst s1  }
0xa: {  	[smem:$0x3FA8] =	sst s2  }
0xb: {  	[smem:$0x3FA9] =	sst s3  }
0xc: {  	[smem:$0x3FAA] =	sst s4  }
0xd: {  	[smem:$0x3FAB] =	sst s5  }
0xe: {  	[smem:$0x3FAC] =	sst s6  }
0xf: {  	[smem:$0x3FAD] =	sst s7  }
0x10: {  	[smem:$0x3FAE] =	sst s8  }
0x11: {  	[smem:$0x3FAF] =	sst s9;
	s0 =	simm.s32 @!p0 $0x0  }
0x12: {  	s1 =	sld [smem:$0x3F95];
	s0 =	simm.s32 @p0 $0x1  }
0x13: {  	[smem:$0x3FB0] =	sst s0;
	s0 =	simm.s32 @!p1 $0x0  }
0x14: {  	s2 =	sld [smem:$0x3F94];
	s0 =	simm.s32 @p1 $0x1  }
0x15: {  	[smem:$0x3FB1] =	sst s0;
	s0 =	simm.s32 @!p2 $0x0  }
0x16: {  	s3 =	sld [smem:$0x3FDB];
	s0 =	simm.s32 @p2 $0x1  }
0x17: {  	s4 =	simm.s32 $0x1BF5;
	[smem:$0x3FB3] =	sst s0  }
0x18: {  	s0 =	sld [smem:$0x3F96];
	_ =	swait.ge [sflag:s4], $0x0  }
0x19: {  	s7 =	sld [smem:$0x3F97]  }
0x1a: {  	s8 =	sadd.s32 $0xFFFFE003, lr  }
0x1b: {  	s9 =	sadd.s32 $0xFFFFFEF7, lr;
	s5 =	simm.s32 $0xFFFFFFFF;
	p2 =	slt.u32 s8, $0xFFFFF086  }
0x1c: {  	p1 =	slt.u32 s9, $0xF7A;
	s5 =	simm.s32 @!p2 $0x0  }
0x1d: {  	s5 =	simm.s32 @p1 $0x1;
	p0 =	seq.s32 s7, s2  }
0x1e: {  	s7 =	smul.u32 @!p0 $0xF7A, s2;
	p2 =	seq.s32 @!p0 s5, $0x0  }
0x1f: {  	s9 =	smul.u32 $0xF7A, s1;
	s8 =	simm.s32 @!p0 $0x1BF5;
	p2 =	por !p2, p0  }
0x20: {  	[sflag:s8] =	ssyncset.s32 @!p0 $0xFFFFF086;
	s6 =	sadd.s32 @!p0 s3, s7;
	s7 =	simm.s32 @!p0 $0x108  }
0x21: {  	s3 =	sadd.s32 s3, s9;
	s6 =	sadd.s32 @!p0 $0x88, s6;
	s7 =	simm.s32 @p2 $0x1082  }
0x22: {  	[simem:s7], [sflag:s8] =	dma.local @!p0 [hbm:s6], $0xF7A  }
0x23: {  	s9 =	sor.u32 $0xD0000000, s2;
	s6 =	simm.s32 $0x108;
	_ =	swait.ge @!p0 [sflag:s8], $0x0  }
0x24: {  	s3 =	sadd.s32 $0x88, s3;
	s6 =	simm.s32 @!p1 $0x1082;
	[sflag:s4] =	ssyncset.s32 $0xFFFFF086  }
0x25: {  	[simem:s6], [sflag:s4] =	dma.local [hbm:s3], $0xF7A  }
0x26: {  	[smem:$0x3F97] =	sst s1;
	(tag) =	ssettag s2;
	_ =	strace s9  }
0x27: {  	s1 =	sld [smem:$0x3FA7]  }
0x28: {  	s2 =	sld [smem:$0x3FA8]  }
0x29: {  	s4 =	sld [smem:$0x3FAA]  }
0x2a: {  	p0 =	seq.s32 s5, $0x0;
	s5 =	sld [smem:$0x3FAB]  }
0x2b: {  	s6 =	sld [smem:$0x3FAC]  }
0x2c: {  	s7 =	sld [smem:$0x3FAD]  }
0x2d: {  	s3 =	simm.s32 $0x108;
	s8 =	sld [smem:$0x3FAE]  }
0x2e: {  	s3 =	simm.s32 @!p0 $0x1082;
	s9 =	sld [smem:$0x3FAF]  }
0x2f: {  	lr =	sadd.s32 s0, s3;
	s0 =	sld [smem:$0x3FA6]  }
0x30: {  	s3 =	sld [smem:$0x3FA9]  }
0x31: {  	[smem:$0x3FB2] =	sst s10  }
0x32: {  	s10 =	sld [smem:$0x3FB0];
	_ =	sdelay $0x3  }
0x33: {  	p0 =	seq.s32 s10, $0x1;
	s10 =	sld [smem:$0x3FB2];
	_ =	sdelay $0x3  }
0x34: {  	[smem:$0x3FB2] =	sst s10  }
0x35: {  	s10 =	sld [smem:$0x3FB1];
	_ =	sdelay $0x3  }
0x36: {  	p1 =	seq.s32 s10, $0x1;
	s10 =	sld [smem:$0x3FB2];
	_ =	sdelay $0x3  }
0x37: {  	[smem:$0x3FB2] =	sst s10  }
0x38: {  	s10 =	sld [smem:$0x3FB3]  }
0x39: {  	_ = 	snop;
	(pc) =	sbr.ind lr, $3  }
0x3a: {  	_ = 	snop  }
0x3b: {  	_ = 	snop  }
0x3c: {  	p2 =	seq.s32 s10, $0x1;
	s10 =	sld [smem:$0x3FB2]  }
0x3d: {  	_ =	shalt  }
0x3e: {  	_ =	shalt  }
0x3f: {  	_ =	shalt  }
0x40: {  	_ =	shalt  }
0x41: {  	_ =	shalt  }
0x42: {  	_ =	shalt  }
0x43: {  	_ =	shalt  }
0x44: {  	_ =	shalt  }
0x45: {  	_ =	shalt  }
0x46: {  	_ =	shalt  }
0x47: {  	_ =	shalt  }
0x48: {  	_ =	shalt  }
0x49: {  	_ =	shalt  }
0x4a: {  	_ =	shalt  }
0x4b: {  	_ =	shalt  }
0x4c: {  	_ =	shalt  }
0x4d: {  	_ =	shalt  }
0x4e: {  	_ =	shalt  }
0x4f: {  	_ =	shalt  }
0x50: {  	_ =	shalt  }
0x51: {  	_ =	shalt  }
0x52: {  	_ =	shalt  }
0x53: {  	_ =	shalt  }
0x54: {  	_ =	shalt  }
0x55: {  	_ =	shalt  }
0x56: {  	_ =	shalt  }
0x57: {  	_ =	shalt  }
0x58: {  	_ =	shalt  }
0x59: {  	_ =	shalt  }
0x5a: {  	_ =	shalt  }
0x5b: {  	_ =	shalt  }
0x5c: {  	_ =	shalt  }
0x5d: {  	_ =	shalt  }
0x5e: {  	_ =	shalt  }
0x5f: {  	_ =	shalt  }
0x60: {  	_ =	shalt  }
0x61: {  	_ =	shalt  }
0x62: {  	_ =	shalt  }
0x63: {  	_ =	shalt  }
0x64: {  	_ =	shalt  }
0x65: {  	_ =	shalt  }
0x66: {  	_ =	shalt  }
0x67: {  	_ =	shalt  }
0x68: {  	_ =	shalt  }
0x69: {  	_ =	shalt  }
0x6a: {  	_ =	shalt  }
0x6b: {  	_ =	shalt  }
0x6c: {  	_ =	shalt  }
0x6d: {  	_ =	shalt  }
0x6e: {  	_ =	shalt  }
0x6f: {  	_ =	shalt  }
0x70: {  	_ =	shalt  }
0x71: {  	_ =	shalt  }
0x72: {  	_ =	shalt  }
0x73: {  	_ =	shalt  }
0x74: {  	_ =	shalt  }
0x75: {  	_ =	shalt  }
0x76: {  	_ =	shalt  }
0x77: {  	_ =	shalt  }
0x78: {  	_ =	shalt  }
0x79: {  	_ =	shalt  }
0x7a: {  	_ =	shalt  }
0x7b: {  	_ =	shalt  }
0x7c: {  	_ =	shalt  }
0x7d: {  	_ =	shalt  }
0x7e: {  	_ =	shalt  }
0x7f: {  	_ =	shalt  }
0x80: {  	_ =	shalt  }
0x81: {  	_ =	shalt  }
0x82: {  	_ =	shalt  }
0x83: {  	_ =	shalt  }
0x84: {  	_ =	shalt  }
0x85: {  	_ =	shalt  }
0x86: {  	_ =	shalt  }
0x87: {  	_ =	shalt  }
.Lfunc_end0:
.L_simem_size_0:
called_computation_lowered:
.L_overlay_start_0:
0x88: {  	s2 =	sld [smem:$0x3FD9]  }
0x89: {  	s3 =	sld [smem:$0x3FFE];
	_ =	sdelay $0x1  }
0x8a: {  	s1 =	srdreg.scid  }
0x8b: {  	s0 =	sand.u32 $0x1, s1  }
0x8c: {  	s16 =	sshll.u32 s0, $0xA;
	s2 =	sadd.s32 s3, s2  }
0x8d: {  	s2 =	sadd.s32 s2, s16  }
0x8e: {  	[smem:$0x3FBE] =	sst s2  }
0x8f: {  	_ = 	snop  }
0x90: {  	(tm) =	ssettm $0x1  }
0x91: {  	s17 =	sld [smem:$0x3FFB];
	_ =	sdelay $0x3  }
0x92: {  	_ =	strace s17  }
0x93: {  	s2 =	sld [smem:$0x3FFC];
	_ =	sdelay $0x3  }
0x94: {  	_ =	strace s2  }
0x95: {  	s2 =	sld [smem:$0x3FFD];
	_ =	sdelay $0x3  }
0x96: {  	_ =	strace s2  }
0x97: {  	_ =	strace $0x8FFFFFFF  }
0x98: {  	s18 =	sld [smem:$0x3FDB];
	_ =	sdelay $0x1  }
0x99: {  	s19 =	simm.s32 $_scs_section_size  }
0x9a: {  	s4 =	simm.s32 $_size__tile_overlayer_lowered;
	s5 =	simm.s32 $_tile_overlayer_lowered  }
0x9b: {  	s22 =	simm.s32 $0x1BFF;
	s21 =	sshll.u32 s5, $0x1;
	s2 =	sadd.s32 s19, s18  }
0x9c: {  	s6 =	simm.s32 $0x0;
	s20 =	sshll.u32 s4, $0x1;
	s4 =	sadd.s32 s21, s2  }
0x9d: {  	[timem:s6], [sflag:s22] =	dma.local [hbm:s4], s20  }
0x9e: {  	_ =	swait.ge [sflag:s22], s20  }
0x9f: {  	s3 =	ssub.s32 $0x0, s20;
	[sflag:s22] =	ssyncset.done $0x0  }
0xa0: {  	[sflag:s22] =	ssyncadd.s32 s3;
	_ =	sdelay $0x1  }
0xa1: {  	s23 =	simm.s32 $0x1B8B  }
0xa2: {  	_ =	swait.ge [sflag:s23], $0x1  }
0xa3: {  	[sflag:s23] =	ssyncset.done $0x0  }
0xa4: {  	s25 =	simm.s32 $0x1B8E;
	s24 =	sld [smem:$0x3FFE];
	[sflag:s23] =	ssyncadd.s32 $0xFFFFFFFF  }
0xa5: {  	s26 =	simm.s32 $execute0_lowered;
	[smem:$0x3FD2] =	sst s25  }
0xa6: {  	s4 =	sshll.u32 s26, $0x1;
	_ =	strace $0x80000046;
	[dreg:$0x1] =	wrdreg $0xFFFFFFFF  }
0xa7: {  	s28 =	simm.s32 $_size_execute0_lowered;
	s2 =	sadd.s32 s2, s4;
	[dreg:$0x0] =	wrdreg $0x0  }
0xa8: {  	s4 =	sshll.u32 s28, $0x1;
	[dreg:$0x2] =	wrdreg s2  }
0xa9: {  	[dreg:$0x3] =	wrdreg s4  }
0xaa: {  	[dreg:$0x4] =	wrdreg $0xC0  }
0xab: {  	_ =	task [dreg:s6], $0x5FFFF  }
0xac: {  	[dreg:$0x1] =	wrdreg $0xFFFFFFFF  }
0xad: {  	[dreg:$0x0] =	wrdreg $0x60  }
0xae: {  	[dreg:$0x2] =	wrdreg s24  }
0xaf: {  	[dreg:$0x3] =	wrdreg $0x9  }
0xb0: {  	_ =	task.clear_ibuf [dreg:s6], $0x4FFFF;
	_ =	strace $0x90000046  }
0xb1: {  	s29 =	simm.s32 $0x9;
	_ =	strace $0x80000048  }
0xb2: {  	_ =	swait.ge [sflag:s29], $0x1  }
0xb3: {  	[sflag:s29] =	ssyncadd.s32 $0xFFFFFFFF  }
0xb4: {  	_ =	strace $0x90000048  }
0xb5: {  	_ =	sfence  }
0xb6: {  	s30 =	sld [smem:$0x0];
	_ =	sdelay $0x2  }
0xb7: {  	s31 =	sshll.u32 s1, $0xD;
	s1 =	sshrl.u32 s1, $0x2  }
0xb8: {  	s3 =	sand.u32 $0x4000, s31;
	s1 =	sadd.s32 s1, s30  }
0xb9: {  	s0 =	sor.u32 s3, s0;
	s1 =	sshll.u32 s1, $0x11  }
0xba: {  	s0 =	sor.u32 s1, s0  }
0xbb: {  	s0 =	sadd.s32 $0x8F2B, s0  }
0xbc: {  	[sflag:s0] =	ssyncadd.remote.s32 $0x1  }
0xbd: {  	_ =	sfence.sel $0xFFFF  }
0xbe: {  	[dreg:$0x0] =	wrdreg $0xFFFFFFFF;
	(pc) =	sbr.abs _section_cstart, $3  }
0xbf: {  	[dreg:$0x1] =	wrdreg $0xFFFFFFFF  }
0xc0: {  	_ =	task.clear_ibuf [dreg:s6], $0x2FFFF;
	_ =	strace $0x9FFFFFFF  }
0xc1: {  	(tm) =	ssettm $0x7FFFFFFF  }
tec
execute0_lowered:
.L_overlay_start_1:
0x0: {  	(tag) =	ssettag $0x1  }
0x1: {  	s0 =	rddreg [dreg:$0x0];
	s2 =	srdreg.scid;
	s1 =	simm.s32 $0x0  }
0x2: {  	s7 =	stileid.u32;
	s8 =	simm.s32 $0x2;
	s2 =	sand.u32 $0x1, s2  }
.Ltmp0:
0x3: {  	s13 =	simm.s32 $0xEA60;
	s3 =	ssub.s32 $0x2, s2;
	(pc) =	sbr.rel .LBB2_1-.Ltmp0, $4  }
0x4: {  	s14 =	simm.s32 $0xF230;
	s15 =	simm.s32 $0x1;
	s6 =	sshrl.u32 s3, $0x1  }
0x5: {  	[smem:$0x7FF] =	sst s1;
	s4 =	sadd.s32 $0xA00, s0;
	s31 =	ssub.s32 s3, s6  }
0x6: {  	s5 =	sadd.s32 $0xF5000, s0;
	_ =	strace $0x80000047;
	s0 =	smax.u32 s31, $0x1  }
0x7: {  	v0 =	vimm.s32 $0x0;
	v1 =	vimm.f32 $0.0e+00;
	s6 =	sshll.u32 s7, $0x1;
	s3 =	simm.s32 $0x0;
	[dreg:$0x2] =	wrdreg s0  }
.LBB2_7:
0x8: {  	s3 =	rddreg [dreg:$0x3]  }
0x9: {  	s0 =	rddreg [dreg:$0x2];
	s3 =	sadd.s32 $0x1, s3  }
0xa: {  	p0 =	sne.s32 s3, s0  }
.Ltmp1:
0xb: {  	_ = 	snop;
	(pc) =	sbr.rel @!p0 .LBB2_8-.Ltmp1, $1  }
0xc: {  	_ =	sdelay $0x3  }
.LBB2_1:
.Ltmp2:
0xd: {  	(pc) =	sbr.rel .LBB2_2-.Ltmp2, $2  }
0xe: {  	_ =	sdelay $0x2  }
0xf: {  	[dreg:$0x3] =	wrdreg s3;
	s16 =	simm.s32 $0x0  }
.LBB2_6:
0x10: {  	s16 =	sadd.s32 $0x1, s16  }
0x11: {  	p0 =	sne.s32 s16, $0x8  }
.Ltmp3:
0x12: {  	_ = 	snop;
	(pc) =	sbr.rel @!p0 .LBB2_7-.Ltmp3, $1  }
0x13: {  	_ =	sdelay $0x3  }
.LBB2_2:
0x14: {  	s0 =	sshll.u32 s16, $0x5  }
0x15: {  	s0 =	sor.u32 s6, s0  }
0x16: {  	p0 =	sgt.u32 s0, $0xF9  }
.Ltmp4:
0x17: {  	_ = 	snop;
	(pc) =	sbr.rel @p0 .LBB2_6-.Ltmp4, $1  }
0x18: {  	_ =	sdelay $0x3  }
0x19: {  	s0 =	sor.u32 s2, s0  }
0x1a: {  	s0 =	smul.u32 $0x7D0, s0;
	_ =	sdelay $0x1  }
0x1b: {  	s17 =	sshrl.u32 s0, $0x3  }
0x1c: {  	s7 =	simm.s32 $0x0;
	s0 =	sadd.s32 s4, s17  }
0x1d: {  	[tilespmem:s7], [sflag:$0x2] =	stream.linear.gather [hbm4b:s0+s7], $0x7D0, $0x38;
	[tilespmem:$0xFA00] =	vst v63  }
0x1e: {  	_ =	swait.ge [sflag:s8], $0x7D0  }
0x1f: {  	s18 =	sadd.s32 $0xF424, s17;
	[sflag:s8] =	ssyncset.done $0x0  }
0x20: {  	s3 =	simm.s32 $0x7D0;
	s11 =	sadd.s32 s4, s18;
	[sflag:s8] =	ssyncadd.s32 $0xFFFFF830  }
0x21: {  	[tilespmem:s3], [sflag:$0x2] =	stream.linear.gather [hbm4b:s11+s7], $0x7D0, $0x38;
	[tilespmem:$0xFA00] =	vst v63  }
0x22: {  	_ =	swait.ge [sflag:s8], $0x7D0  }
0x23: {  	s19 =	sadd.s32 $0x1E848, s17;
	[sflag:s8] =	ssyncset.done $0x0  }
0x24: {  	s20 =	simm.s32 $0xFA0;
	s12 =	sadd.s32 s4, s19;
	[sflag:s8] =	ssyncadd.s32 $0xFFFFF830  }
0x25: {  	[tilespmem:s20], [sflag:$0x2] =	stream.linear.gather [hbm4b:s12+s7], $0x7D0, $0x38;
	[tilespmem:$0xFA00] =	vst v63  }
0x26: {  	_ =	swait.ge [sflag:s8], $0x7D0  }
0x27: {  	s20 =	sadd.s32 $0x2DC6C, s17;
	[sflag:s8] =	ssyncset.done $0x0  }
0x28: {  	s22 =	simm.s32 $0x1770;
	s21 =	sadd.s32 s4, s20;
	[sflag:s8] =	ssyncadd.s32 $0xFFFFF830  }
0x29: {  	[tilespmem:s22], [sflag:$0x2] =	stream.linear.gather [hbm4b:s21+s7], $0x7D0, $0x38;
	[tilespmem:$0xFA00] =	vst v63  }
0x2a: {  	_ =	swait.ge [sflag:s8], $0x7D0  }
0x2b: {  	s21 =	sadd.s32 $0x3D090, s17;
	[sflag:s8] =	ssyncset.done $0x0  }
0x2c: {  	s24 =	simm.s32 $0x1F40;
	s23 =	sadd.s32 s4, s21;
	[sflag:s8] =	ssyncadd.s32 $0xFFFFF830  }
0x2d: {  	[tilespmem:s24], [sflag:$0x2] =	stream.linear.gather [hbm4b:s23+s7], $0x7D0, $0x38;
	[tilespmem:$0xFA00] =	vst v63  }
0x2e: {  	_ =	swait.ge [sflag:s8], $0x7D0  }
0x2f: {  	s22 =	sadd.s32 $0x4C4B4, s17;
	[sflag:s8] =	ssyncset.done $0x0  }
0x30: {  	s26 =	simm.s32 $0x2710;
	s25 =	sadd.s32 s4, s22;
	[sflag:s8] =	ssyncadd.s32 $0xFFFFF830  }
0x31: {  	[tilespmem:s26], [sflag:$0x2] =	stream.linear.gather [hbm4b:s25+s7], $0x7D0, $0x38;
	[tilespmem:$0xFA00] =	vst v63  }
0x32: {  	_ =	swait.ge [sflag:s8], $0x7D0  }
0x33: {  	s23 =	sadd.s32 $0x5B8D8, s17;
	[sflag:s8] =	ssyncset.done $0x0  }
0x34: {  	s9 =	simm.s32 $0x2EE0;
	s3 =	sadd.s32 s4, s23;
	[sflag:s8] =	ssyncadd.s32 $0xFFFFF830  }
0x35: {  	[tilespmem:s9], [sflag:$0x2] =	stream.linear.gather [hbm4b:s3+s7], $0x7D0, $0x38;
	[tilespmem:$0xFA00] =	vst v63  }
0x36: {  	_ =	swait.ge [sflag:s8], $0x7D0  }
0x37: {  	s24 =	sadd.s32 $0x6ACFC, s17;
	[sflag:s8] =	ssyncset.done $0x0  }
0x38: {  	s11 =	simm.s32 $0x36B0;
	s10 =	sadd.s32 s4, s24;
	[sflag:s8] =	ssyncadd.s32 $0xFFFFF830  }
0x39: {  	[tilespmem:s11], [sflag:$0x2] =	stream.linear.gather [hbm4b:s10+s7], $0x7D0, $0x38;
	[tilespmem:$0xFA00] =	vst v63  }
0x3a: {  	_ =	swait.ge [sflag:s8], $0x7D0  }
0x3b: {  	s25 =	sadd.s32 $0x7A120, s17;
	[sflag:s8] =	ssyncset.done $0x0  }
0x3c: {  	s26 =	simm.s32 $0x3E80;
	s12 =	sadd.s32 s4, s25;
	[sflag:s8] =	ssyncadd.s32 $0xFFFFF830  }
0x3d: {  	[tilespmem:s26], [sflag:$0x2] =	stream.linear.gather [hbm4b:s12+s7], $0x7D0, $0x38;
	[tilespmem:$0xFA00] =	vst v63  }
0x3e: {  	_ =	swait.ge [sflag:s8], $0x7D0  }
0x3f: {  	s26 =	sadd.s32 $0x89544, s17;
	[sflag:s8] =	ssyncset.done $0x0  }
0x40: {  	s10 =	simm.s32 $0x4650;
	s9 =	sadd.s32 s4, s26;
	[sflag:s8] =	ssyncadd.s32 $0xFFFFF830  }
0x41: {  	[tilespmem:s10], [sflag:$0x2] =	stream.linear.gather [hbm4b:s9+s7], $0x7D0, $0x38;
	[tilespmem:$0xFA00] =	vst v63  }
0x42: {  	_ =	swait.ge [sflag:s8], $0x7D0  }
0x43: {  	s28 =	sadd.s32 $0x98968, s17;
	[sflag:s8] =	ssyncset.done $0x0  }
0x44: {  	s11 =	sadd.s32 s4, s28;
	s12 =	simm.s32 $0x4E20;
	[sflag:s8] =	ssyncadd.s32 $0xFFFFF830  }
0x45: {  	[tilespmem:s12], [sflag:$0x2] =	stream.linear.gather [hbm4b:s11+s7], $0x7D0, $0x38;
	[tilespmem:$0xFA00] =	vst v63  }
0x46: {  	_ =	swait.ge [sflag:s8], $0x7D0  }
0x47: {  	s29 =	sadd.s32 $0xA7D8C, s17;
	[sflag:s8] =	ssyncset.done $0x0  }
0x48: {  	s9 =	sadd.s32 s4, s29;
	s10 =	simm.s32 $0x55F0;
	[sflag:s8] =	ssyncadd.s32 $0xFFFFF830  }
0x49: {  	[tilespmem:s10], [sflag:$0x2] =	stream.linear.gather [hbm4b:s9+s7], $0x7D0, $0x38;
	[tilespmem:$0xFA00] =	vst v63  }
0x4a: {  	_ =	swait.ge [sflag:s8], $0x7D0  }
0x4b: {  	s30 =	sadd.s32 $0xB71B0, s17;
	[sflag:s8] =	ssyncset.done $0x0  }
0x4c: {  	s11 =	sadd.s32 s4, s30;
	s12 =	simm.s32 $0x5DC0;
	[sflag:s8] =	ssyncadd.s32 $0xFFFFF830  }
0x4d: {  	[tilespmem:s12], [sflag:$0x2] =	stream.linear.gather [hbm4b:s11+s7], $0x7D0, $0x38;
	[tilespmem:$0xFA00] =	vst v63  }
0x4e: {  	_ =	swait.ge [sflag:s8], $0x7D0  }
0x4f: {  	s31 =	sadd.s32 $0xC65D4, s17;
	[sflag:s8] =	ssyncset.done $0x0  }
0x50: {  	s9 =	sadd.s32 s4, s31;
	s10 =	simm.s32 $0x6590;
	[sflag:s8] =	ssyncadd.s32 $0xFFFFF830  }
0x51: {  	[tilespmem:s10], [sflag:$0x2] =	stream.linear.gather [hbm4b:s9+s7], $0x7D0, $0x38;
	[tilespmem:$0xFA00] =	vst v63  }
0x52: {  	_ =	swait.ge [sflag:s8], $0x7D0  }
0x53: {  	s0 =	sadd.s32 $0xD59F8, s17;
	[sflag:s8] =	ssyncset.done $0x0  }
0x54: {  	s11 =	sadd.s32 s4, s0;
	s9 =	simm.s32 $0x6D60;
	[sflag:s8] =	ssyncadd.s32 $0xFFFFF830  }
0x55: {  	[tilespmem:s9], [sflag:$0x2] =	stream.linear.gather [hbm4b:s11+s7], $0x7D0, $0x38;
	[tilespmem:$0xFA00] =	vst v63  }
0x56: {  	_ =	swait.ge [sflag:s8], $0x7D0  }
0x57: {  	s3 =	sadd.s32 $0xE4E1C, s17;
	[sflag:s8] =	ssyncset.done $0x0  }
0x58: {  	s12 =	sadd.s32 s4, s3;
	s10 =	simm.s32 $0x7530;
	[sflag:s8] =	ssyncadd.s32 $0xFFFFF830  }
0x59: {  	[tilespmem:s10], [sflag:$0x2] =	stream.linear.gather [hbm4b:s12+s7], $0x7D0, $0x38;
	[tilespmem:$0xFA00] =	vst v63  }
0x5a: {  	_ =	swait.ge [sflag:s8], $0x7D0  }
0x5b: {  	[sflag:s8] =	ssyncset.done $0x0  }
0x5c: {  	s9 =	simm.s32 $0x0;
	[sflag:s8] =	ssyncadd.s32 $0xFFFFF830  }
0x5d: {  	v2 =	vld [tilespmem:s9+$0x0]  }
0x5e: {  	v3 =	vld [tilespmem:s9+$0x7D0];
	_ =	sdelay $0x1  }
0x5f: {  	v4 =	vld [tilespmem:s9+$0xFA0];
	_ =	sdelay $0x1  }
0x60: {  	v5 =	vld [tilespmem:s9+$0x1770]  }
0x61: {  	vm0 =	vgt.f32 v3, v2  }
0x62: {  	v2 =	vsel vm0, v3, v2;
	v3 =	vld [tilespmem:s9+$0x1F40]  }
0x63: {  	vm1 =	vgt.f32 v4, v2  }
0x64: {  	v2 =	vsel vm1, v4, v2;
	v4 =	vld [tilespmem:s9+$0x2710]  }
0x65: {  	vm2 =	vgt.f32 v5, v2  }
0x66: {  	v2 =	vsel vm2, v5, v2;
	v5 =	vld [tilespmem:s9+$0x2EE0]  }
0x67: {  	vm3 =	vgt.f32 v3, v2  }
0x68: {  	v2 =	vsel vm3, v3, v2;
	v3 =	vld [tilespmem:s9+$0x36B0]  }
0x69: {  	s10 =	sand.u32 $0x7F0, s7;
	vm4 =	vgt.f32 v4, v2  }
0x6a: {  	v2 =	vsel vm4, v4, v2;
	v4 =	vld [tilespmem:s10+$0x3E80]  }
0x6b: {  	vm5 =	vgt.f32 v5, v2  }
0x6c: {  	v2 =	vsel vm5, v5, v2;
	v5 =	vld [tilespmem:s9+$0x4650]  }
0x6d: {  	vm6 =	vgt.f32 v3, v2  }
0x6e: {  	v2 =	vsel vm6, v3, v2;
	v3 =	vld [tilespmem:s9+$0x4E20]  }
0x6f: {  	vm7 =	vgt.f32 v4, v2  }
0x70: {  	v6 =	vsel vm0, $0x1, v0;
	v2 =	vsel vm7, v4, v2;
	v4 =	vld [tilespmem:s9+$0x55F0]  }
0x71: {  	v6 =	vsel vm1, $0x2, v6;
	vm0 =	vgt.f32 v5, v2  }
0x72: {  	v6 =	vsel vm2, $0x3, v6;
	v2 =	vsel vm0, v5, v2;
	v5 =	vld [tilespmem:s9+$0x5DC0]  }
0x73: {  	v6 =	vsel vm3, $0x4, v6;
	vm1 =	vgt.f32 v3, v2  }
0x74: {  	v6 =	vsel vm4, $0x5, v6;
	v2 =	vsel vm1, v3, v2;
	v3 =	vld [tilespmem:s9+$0x6590]  }
0x75: {  	v6 =	vsel vm5, $0x6, v6;
	vm2 =	vgt.f32 v4, v2  }
0x76: {  	v6 =	vsel vm6, $0x7, v6;
	v2 =	vsel vm2, v4, v2;
	v4 =	vld [tilespmem:s9+$0x6D60]  }
0x77: {  	v6 =	vsel vm7, $0x8, v6;
	vm3 =	vgt.f32 v5, v2  }
0x78: {  	v6 =	vsel vm0, $0x9, v6;
	v2 =	vsel vm3, v5, v2;
	v5 =	vld [tilespmem:s9+$0x7530]  }
0x79: {  	v6 =	vsel vm1, $0xA, v6;
	vm0 =	vgt.f32 v3, v2  }
0x7a: {  	v6 =	vsel vm2, $0xB, v6;
	v2 =	vsel vm0, v3, v2  }
0x7b: {  	v3 =	vsel vm3, $0xC, v6;
	vm1 =	vgt.f32 v4, v2  }
0x7c: {  	v3 =	vsel vm0, $0xD, v3;
	v2 =	vsel vm1, v4, v2  }
0x7d: {  	v3 =	vsel vm1, $0xE, v3;
	vm0 =	vgt.f32 v5, v2  }
0x7e: {  	v2 =	vsel vm0, $0xF, v3  }
0x7f: {  	vm1 =	veq.s32 v2, $0x0;
	vm2 =	veq.s32 v2, $0x1;
	vm0 =	veq.s32 v2, $0x8  }
0x80: {  	v4 =	vsel vm1, $0x3F800000, v1;
	v3 =	vsel vm2, $0x3F800000, v1;
	vm1 =	veq.s32 v2, $0x3  }
0x81: {  	s11 =	simm.s32 $0x40;
	vm2 =	veq.s32 v2, $0x2;
	[tilespmem:s9+$0x7D00] =	vst v4;
	v4 =	vsel vm1, $0x3F800000, v1;
	vm1 =	veq.s32 v2, $0x4  }
.LBB2_4:
0x82: {  	p0 =	sne.s32 s11, $0x1F00  }
0x83: {  	v5 =	vsel vm2, $0x3F800000, v1;
	[tilespmem:s9+$0x9470] =	vst v4;
	v4 =	vsel vm1, $0x3F800000, v1;
	vm1 =	veq.s32 v2, $0x5;
	s7 =	sadd.s32 $0x10, s7;
	s12 =	smov.u32 s11;
	s11 =	sadd.s32 $0x40, s11  }
0x84: {  	vm2 =	veq.s32 v2, $0x7;
	[tilespmem:s9+$0x84D0] =	vst v3;
	v3 =	vsel vm1, $0x3F800000, v1;
	vm1 =	veq.s32 v2, $0x6  }
0x85: {  	v6 =	vsel vm2, $0x3F800000, v1;
	[tilespmem:s9+$0xA410] =	vst v3;
	v3 =	vsel vm1, $0x3F800000, v1;
	vm1 =	veq.s32 v2, $0x9  }
0x86: {  	vm3 =	veq.s32 v2, $0xB;
	vm4 =	veq.s32 v2, $0xF;
	vm2 =	veq.s32 v2, $0xA;
	[tilespmem:s9+$0x8CA0] =	vst v5  }
0x87: {  	vm5 =	veq.s32 v2, $0xC;
	vm6 =	veq.s32 v2, $0xD;
	vm7 =	veq.s32 v2, $0xE;
	[tilespmem:s9+$0xB3B0] =	vst v6  }
0x88: {  	[tilespmem:s9+$0x9C40] =	vst v4  }
0x89: {  	v2 =	vsel vm0, $0x3F800000, v1;
	[tilespmem:s9+$0xABE0] =	vst v3  }
0x8a: {  	s12 =	sshra.s32 s12, $0x2;
	[tilespmem:s10+$0xBB80] =	vst v2;
	v2 =	vsel vm1, $0x3F800000, v1  }
0x8b: {  	v3 =	vld [tilespmem:s12+$0x0];
	[tilespmem:s9+$0xC350] =	vst v2;
	v2 =	vsel vm2, $0x3F800000, v1  }
0x8c: {  	v4 =	vld [tilespmem:s12+$0x7D0];
	[tilespmem:s9+$0xCB20] =	vst v2;
	v2 =	vsel vm4, $0x3F800000, v1  }
0x8d: {  	v5 =	vsel vm3, $0x3F800000, v1;
	[tilespmem:s9+$0xF230] =	vst v2  }
0x8e: {  	v2 =	vld [tilespmem:s12+$0xFA0];
	[tilespmem:s9+$0xD2F0] =	vst v5;
	v5 =	vsel vm6, $0x3F800000, v1  }
0x8f: {  	v6 =	vsel vm5, $0x3F800000, v1;
	[tilespmem:s9+$0xE290] =	vst v5;
	v5 =	vsel vm7, $0x3F800000, v1  }
0x90: {  	v7 =	vld [tilespmem:s12+$0x1770];
	[tilespmem:s9+$0xEA60] =	vst v5  }
0x91: {  	vm0 =	vgt.f32 v4, v3;
	[tilespmem:s9+$0xDAC0] =	vst v6;
	s9 =	smov.u32 s12  }
0x92: {  	v3 =	vsel vm0, v4, v3;
	v4 =	vld [tilespmem:s9+$0x1F40]  }
0x93: {  	vm1 =	vgt.f32 v2, v3  }
0x94: {  	v2 =	vsel vm1, v2, v3;
	v3 =	vld [tilespmem:s9+$0x2710]  }
0x95: {  	vm2 =	vgt.f32 v7, v2  }
0x96: {  	v2 =	vsel vm2, v7, v2;
	v5 =	vld [tilespmem:s9+$0x2EE0]  }
0x97: {  	vm3 =	vgt.f32 v4, v2  }
0x98: {  	v2 =	vsel vm3, v4, v2;
	v4 =	vld [tilespmem:s9+$0x36B0]  }
0x99: {  	s10 =	sand.u32 $0x7F0, s7;
	vm4 =	vgt.f32 v3, v2  }
0x9a: {  	v2 =	vsel vm4, v3, v2;
	v3 =	vld [tilespmem:s10+$0x3E80]  }
0x9b: {  	vm5 =	vgt.f32 v5, v2  }
0x9c: {  	v2 =	vsel vm5, v5, v2;
	v5 =	vld [tilespmem:s9+$0x4650]  }
0x9d: {  	vm6 =	vgt.f32 v4, v2  }
0x9e: {  	v2 =	vsel vm6, v4, v2;
	v4 =	vld [tilespmem:s9+$0x4E20]  }
0x9f: {  	v6 =	vsel vm0, $0x1, v0;
	vm0 =	vgt.f32 v3, v2  }
0xa0: {  	v6 =	vsel vm1, $0x2, v6;
	v2 =	vsel vm0, v3, v2;
	v3 =	vld [tilespmem:s9+$0x55F0]  }
0xa1: {  	v6 =	vsel vm2, $0x3, v6;
	vm1 =	vgt.f32 v5, v2  }
0xa2: {  	v6 =	vsel vm3, $0x4, v6;
	v2 =	vsel vm1, v5, v2;
	v5 =	vld [tilespmem:s9+$0x5DC0]  }
0xa3: {  	v6 =	vsel vm4, $0x5, v6;
	vm2 =	vgt.f32 v4, v2  }
0xa4: {  	v6 =	vsel vm5, $0x6, v6;
	v2 =	vsel vm2, v4, v2;
	v4 =	vld [tilespmem:s9+$0x6590]  }
0xa5: {  	v6 =	vsel vm6, $0x7, v6;
	vm3 =	vgt.f32 v3, v2  }
0xa6: {  	v6 =	vsel vm0, $0x8, v6;
	v2 =	vsel vm3, v3, v2;
	v3 =	vld [tilespmem:s9+$0x6D60]  }
0xa7: {  	v6 =	vsel vm1, $0x9, v6;
	vm0 =	vgt.f32 v5, v2  }
0xa8: {  	v6 =	vsel vm2, $0xA, v6;
	v2 =	vsel vm0, v5, v2;
	v5 =	vld [tilespmem:s9+$0x7530]  }
0xa9: {  	v6 =	vsel vm3, $0xB, v6;
	vm1 =	vgt.f32 v4, v2  }
0xaa: {  	v6 =	vsel vm0, $0xC, v6;
	v2 =	vsel vm1, v4, v2  }
0xab: {  	v4 =	vsel vm1, $0xD, v6;
	vm0 =	vgt.f32 v3, v2  }
0xac: {  	v2 =	vsel vm0, v3, v2;
	v3 =	vsel vm0, $0xE, v4  }
.Ltmp5:
0xad: {  	vm0 =	vgt.f32 v5, v2;
	(pc) =	sbr.rel @p0 .LBB2_4-.Ltmp5, $4  }
0xae: {  	v2 =	vsel vm0, $0xF, v3  }
0xaf: {  	vm1 =	veq.s32 v2, $0x0;
	vm2 =	veq.s32 v2, $0x1;
	vm0 =	veq.s32 v2, $0x8  }
0xb0: {  	v4 =	vsel vm1, $0x3F800000, v1;
	v3 =	vsel vm2, $0x3F800000, v1;
	vm1 =	veq.s32 v2, $0x3  }
0xb1: {  	vm2 =	veq.s32 v2, $0x2;
	[tilespmem:s9+$0x7D00] =	vst v4;
	v4 =	vsel vm1, $0x3F800000, v1;
	vm1 =	veq.s32 v2, $0x4  }
0xb2: {  	[tilespmem:s9+$0x9470] =	vst v4  }
0xb3: {  	[tilespmem:s9+$0x84D0] =	vst v3;
	v61 =	vsel vm2, $0x3F800000, v1  }
0xb4: {  	vm3 =	veq.s32 v2, $0x5;
	v62 =	vsel vm1, $0x3F800000, v1;
	[tilespmem:s9+$0x8CA0] =	vst v61  }
0xb5: {  	vm7 =	veq.s32 v2, $0x7;
	v3 =	vsel vm3, $0x3F800000, v1;
	[tilespmem:s9+$0x9C40] =	vst v62  }
0xb6: {  	vm8 =	veq.s32 v2, $0x6;
	[tilespmem:s9+$0xA410] =	vst v3;
	v3 =	vsel vm7, $0x3F800000, v1  }
0xb7: {  	[tilespmem:s9+$0xB3B0] =	vst v3;
	v3 =	vsel vm8, $0x3F800000, v1  }
0xb8: {  	vm9 =	veq.s32 v2, $0x9;
	[tilespmem:s9+$0xABE0] =	vst v3;
	v3 =	vsel vm0, $0x3F800000, v1  }
0xb9: {  	vm10 =	veq.s32 v2, $0xA;
	vm12 =	veq.s32 v2, $0xB;
	[tilespmem:s10+$0xBB80] =	vst v3;
	v3 =	vsel vm9, $0x3F800000, v1  }
0xba: {  	vm11 =	veq.s32 v2, $0xF;
	vm14 =	veq.s32 v2, $0xE;
	v63 =	vsel vm12, $0x3F800000, v1;
	[tilespmem:s9+$0xC350] =	vst v3  }
0xbb: {  	vm13 =	veq.s32 v2, $0xD;
	vm15 =	veq.s32 v2, $0xC;
	v2 =	vsel vm14, $0x3F800000, v1;
	[tilespmem:s9+$0xD2F0] =	vst v63  }
0xbc: {  	v3 =	vsel vm10, $0x3F800000, v1;
	[tilespmem:s9+$0xEA60] =	vst v2  }
0xbd: {  	[tilespmem:s9+$0xCB20] =	vst v3;
	v3 =	vsel vm11, $0x3F800000, v1  }
0xbe: {  	[tilespmem:s9+$0xF230] =	vst v3;
	v3 =	vsel vm13, $0x3F800000, v1  }
0xbf: {  	[tilespmem:s9+$0xE290] =	vst v3;
	v3 =	vsel vm15, $0x3F800000, v1  }
0xc0: {  	s7 =	sadd.s32 s5, s17;
	s17 =	simm.s32 $0x7D00;
	[tilespmem:s9+$0xDAC0] =	vst v3  }
0xc1: {  	[hbm4b:s7+s1] =	stream.linear.scatter [tilespmem:s17], [sflag:$0x2], $0x7D0, $0x38;
	[tilespmem:$0xFA00] =	vst v63  }
0xc2: {  	_ =	swait.ge [sflag:s8], $0x7D0  }
0xc3: {  	[sflag:s8] =	ssyncset.done $0x0  }
0xc4: {  	s10 =	simm.s32 $0x84D0;
	s9 =	sadd.s32 s5, s18;
	[sflag:s8] =	ssyncadd.s32 $0xFFFFF830  }
0xc5: {  	[hbm4b:s9+s1] =	stream.linear.scatter [tilespmem:s10], [sflag:$0x2], $0x7D0, $0x38;
	[tilespmem:$0xFA00] =	vst v63  }
0xc6: {  	_ =	swait.ge [sflag:s8], $0x7D0  }
0xc7: {  	[sflag:s8] =	ssyncset.done $0x0  }
0xc8: {  	s11 =	sadd.s32 s5, s19;
	s12 =	simm.s32 $0x8CA0;
	[sflag:s8] =	ssyncadd.s32 $0xFFFFF830  }
0xc9: {  	[hbm4b:s11+s1] =	stream.linear.scatter [tilespmem:s12], [sflag:$0x2], $0x7D0, $0x38;
	[tilespmem:$0xFA00] =	vst v63  }
0xca: {  	_ =	swait.ge [sflag:s8], $0x7D0  }
0xcb: {  	[sflag:s8] =	ssyncset.done $0x0  }
0xcc: {  	s18 =	simm.s32 $0x9470;
	s17 =	sadd.s32 s5, s20;
	[sflag:s8] =	ssyncadd.s32 $0xFFFFF830  }
0xcd: {  	[hbm4b:s17+s1] =	stream.linear.scatter [tilespmem:s18], [sflag:$0x2], $0x7D0, $0x38;
	[tilespmem:$0xFA00] =	vst v63  }
0xce: {  	_ =	swait.ge [sflag:s8], $0x7D0  }
0xcf: {  	[sflag:s8] =	ssyncset.done $0x0  }
0xd0: {  	s19 =	sadd.s32 s5, s21;
	s20 =	simm.s32 $0x9C40;
	[sflag:s8] =	ssyncadd.s32 $0xFFFFF830  }
0xd1: {  	[hbm4b:s19+s1] =	stream.linear.scatter [tilespmem:s20], [sflag:$0x2], $0x7D0, $0x38;
	[tilespmem:$0xFA00] =	vst v63  }
0xd2: {  	_ =	swait.ge [sflag:s8], $0x7D0  }
0xd3: {  	[sflag:s8] =	ssyncset.done $0x0  }
0xd4: {  	s21 =	sadd.s32 s5, s22;
	s22 =	simm.s32 $0xA410;
	[sflag:s8] =	ssyncadd.s32 $0xFFFFF830  }
0xd5: {  	[hbm4b:s21+s1] =	stream.linear.scatter [tilespmem:s22], [sflag:$0x2], $0x7D0, $0x38;
	[tilespmem:$0xFA00] =	vst v63  }
0xd6: {  	_ =	swait.ge [sflag:s8], $0x7D0  }
0xd7: {  	[sflag:s8] =	ssyncset.done $0x0  }
0xd8: {  	s10 =	sadd.s32 s5, s23;
	s11 =	simm.s32 $0xABE0;
	[sflag:s8] =	ssyncadd.s32 $0xFFFFF830  }
0xd9: {  	[hbm4b:s10+s1] =	stream.linear.scatter [tilespmem:s11], [sflag:$0x2], $0x7D0, $0x38;
	[tilespmem:$0xFA00] =	vst v63  }
0xda: {  	_ =	swait.ge [sflag:s8], $0x7D0  }
0xdb: {  	[sflag:s8] =	ssyncset.done $0x0  }
0xdc: {  	s12 =	sadd.s32 s5, s24;
	s17 =	simm.s32 $0xB3B0;
	[sflag:s8] =	ssyncadd.s32 $0xFFFFF830  }
0xdd: {  	[hbm4b:s12+s1] =	stream.linear.scatter [tilespmem:s17], [sflag:$0x2], $0x7D0, $0x38;
	[tilespmem:$0xFA00] =	vst v63  }
0xde: {  	_ =	swait.ge [sflag:s8], $0x7D0  }
0xdf: {  	[sflag:s8] =	ssyncset.done $0x0  }
0xe0: {  	s18 =	sadd.s32 s5, s25;
	s19 =	simm.s32 $0xBB80;
	[sflag:s8] =	ssyncadd.s32 $0xFFFFF830  }
0xe1: {  	[hbm4b:s18+s1] =	stream.linear.scatter [tilespmem:s19], [sflag:$0x2], $0x7D0, $0x38;
	[tilespmem:$0xFA00] =	vst v63  }
0xe2: {  	_ =	swait.ge [sflag:s8], $0x7D0  }
0xe3: {  	[sflag:s8] =	ssyncset.done $0x0  }
0xe4: {  	s20 =	sadd.s32 s5, s26;
	s21 =	simm.s32 $0xC350;
	[sflag:s8] =	ssyncadd.s32 $0xFFFFF830  }
0xe5: {  	[hbm4b:s20+s1] =	stream.linear.scatter [tilespmem:s21], [sflag:$0x2], $0x7D0, $0x38;
	[tilespmem:$0xFA00] =	vst v63  }
0xe6: {  	_ =	swait.ge [sflag:s8], $0x7D0  }
0xe7: {  	[sflag:s8] =	ssyncset.done $0x0  }
0xe8: {  	s23 =	simm.s32 $0xCB20;
	s22 =	sadd.s32 s5, s28;
	[sflag:s8] =	ssyncadd.s32 $0xFFFFF830  }
0xe9: {  	[hbm4b:s22+s1] =	stream.linear.scatter [tilespmem:s23], [sflag:$0x2], $0x7D0, $0x38;
	[tilespmem:$0xFA00] =	vst v63  }
0xea: {  	_ =	swait.ge [sflag:s8], $0x7D0  }
0xeb: {  	[sflag:s8] =	ssyncset.done $0x0  }
0xec: {  	s24 =	sadd.s32 s5, s29;
	s25 =	simm.s32 $0xD2F0;
	[sflag:s8] =	ssyncadd.s32 $0xFFFFF830  }
0xed: {  	[hbm4b:s24+s1] =	stream.linear.scatter [tilespmem:s25], [sflag:$0x2], $0x7D0, $0x38;
	[tilespmem:$0xFA00] =	vst v63  }
0xee: {  	_ =	swait.ge [sflag:s8], $0x7D0  }
0xef: {  	[sflag:s8] =	ssyncset.done $0x0  }
0xf0: {  	s26 =	sadd.s32 s5, s30;
	s28 =	simm.s32 $0xDAC0;
	[sflag:s8] =	ssyncadd.s32 $0xFFFFF830  }
0xf1: {  	[hbm4b:s26+s1] =	stream.linear.scatter [tilespmem:s28], [sflag:$0x2], $0x7D0, $0x38;
	[tilespmem:$0xFA00] =	vst v63  }
0xf2: {  	_ =	swait.ge [sflag:s8], $0x7D0  }
0xf3: {  	[sflag:s8] =	ssyncset.done $0x0  }
0xf4: {  	s29 =	sadd.s32 s5, s31;
	s30 =	simm.s32 $0xE290;
	[sflag:s8] =	ssyncadd.s32 $0xFFFFF830  }
0xf5: {  	[hbm4b:s29+s1] =	stream.linear.scatter [tilespmem:s30], [sflag:$0x2], $0x7D0, $0x38;
	[tilespmem:$0xFA00] =	vst v63  }
0xf6: {  	_ =	swait.ge [sflag:s8], $0x7D0  }
0xf7: {  	[sflag:s8] =	ssyncset.done $0x0  }
0xf8: {  	s0 =	sadd.s32 s5, s0;
	[sflag:s8] =	ssyncadd.s32 $0xFFFFF830  }
0xf9: {  	[hbm4b:s0+s1] =	stream.linear.scatter [tilespmem:s13], [sflag:$0x2], $0x7D0, $0x38;
	[tilespmem:$0xFA00] =	vst v63  }
0xfa: {  	_ =	swait.ge [sflag:s8], $0x7D0  }
0xfb: {  	[sflag:s8] =	ssyncset.done $0x0  }
.Ltmp6:
0xfc: {  	s31 =	sadd.s32 s5, s3;
	[sflag:s8] =	ssyncadd.s32 $0xFFFFF830;
	(pc) =	sbr.rel .LBB2_6-.Ltmp6, $4  }
0xfd: {  	[hbm4b:s31+s1] =	stream.linear.scatter [tilespmem:s14], [sflag:$0x1], $0x7D0, $0x38;
	[tilespmem:$0xFA00] =	vst v63  }
0xfe: {  	_ =	swait.ge [sflag:s15], $0x7D0  }
0xff: {  	[sflag:s15] =	ssyncset.done $0x0  }
0x100: {  	[sflag:s15] =	ssyncadd.s32 $0xFFFFF830  }
.LBB2_8:
0x101: {  	_ =	sfence.sel $0x180000  }
0x102: {  	[bflag:$0x0] =	sbarrier.arrive $0xFFFF  }
0x103: {  	_ =	strace $0x90000047  }
0x104: {  	s0 =	stileid.u32;
	[bflag:$0x2] =	sbarrier.arrive $0xFFFF  }
0x105: {  	p0 =	sne.s32 s0, $0x0;
	s0 =	rddreg [dreg:$0x1]  }
0x106: {  	s0 =	sadd.s32 @!p0 $0x100000, s0  }
0x107: {  	[sflag:s0] =	ssyncadd.tile.s32 @!p0 $0x1;
	_ =	shalt  }
.Lfunc_end2:
_tile_overlayer_lowered:
.L_overlay_start_2:
0x108: {  	(tag) =	ssettag $0x2  }
0x109: {  	s0 =	rddreg [dreg:$0x0];
	s2 =	stileid.u32  }
0x10a: {  	s1 =	rddreg [dreg:$0x1];
	p0 =	sne.s32 s2, $0x0  }
0x10b: {  	s3 =	rddreg [dreg:$0x2];
	[bflag:$0x3] =	sbarrier.arrive $0xFFFF;
	s2 =	simm.s32 @!p0 $0x1C01  }
0x10c: {  	[timem:s3], [sflag:s2] =	dma.local @!p0 [hbm:s0], s1  }
0x10d: {  	s0 =	simm.s32 @!p0 $0x1  }
0x10e: {  	_ =	swait.ge @!p0 [sflag:s0], s1  }
0x10f: {  	s1 =	ssub.s32 @!p0 $0x0, s1;
	[sflag:s0] =	ssyncset.done @!p0 $0x0  }
0x110: {  	[sflag:s0] =	ssyncadd.s32 @!p0 s1  }
0x111: {  	[bflag:$0x3] =	sbarrier.arrive $0xFFFF  }
0x112: {  	_ =	shalt  }

</sc_bundles>
